<compile_context>
chip_gen: v7x
topology: tpu7x:2x2x1
jax: 0.10.2.dev20260603
libtpu: 0.0.44.dev20260713+nightly
codegen_flags: <defaults>
</compile_context>

<pallas_src>
import jax
import jax.numpy as jnp
from jax import lax
from jax.experimental import pallas as pl
from jax.experimental.pallas import tpu as pltpu
from jax.experimental.pallas import tpu_sc as plsc

VOCAB = 49408
EMBED = 768
NUM_POS = 77
PADDED_POS = 80
BATCH = 4096
B2 = BATCH * PADDED_POS
NW = 32
ROWS_PER_W = B2 // NW
CHUNK = 64
NCHUNK = ROWS_PER_W // CHUNK
NPAIR = NCHUNK // 2


def _sc_body(tok_hbm, idx_hbm, out_hbm, idx_v, rows0, rows1,
             gsem0, gsem1, osem0, osem1):
    c = lax.axis_index("c")
    s = lax.axis_index("s")
    wid = s * 2 + c
    base = wid * ROWS_PER_W

    bufs = (rows0, rows1)
    gsems = (gsem0, gsem1)
    osems = (osem0, osem1)

    pltpu.sync_copy(idx_hbm.at[pl.ds(base, ROWS_PER_W)], idx_v)

    def gather_start(g, b):
        pltpu.async_copy(tok_hbm.at[idx_v.at[pl.ds(g * CHUNK, CHUNK)]],
                         bufs[b], gsems[b])

    def gather_wait(g, b):
        pltpu.make_async_copy(tok_hbm.at[idx_v.at[pl.ds(g * CHUNK, CHUNK)]],
                              bufs[b], gsems[b]).wait()

    def out_start(g, b):
        pltpu.async_copy(bufs[b], out_hbm.at[pl.ds(base + g * CHUNK, CHUNK)],
                         osems[b])

    def out_drain(b):
        pltpu.make_async_copy(bufs[b], out_hbm.at[pl.ds(base, CHUNK)],
                              osems[b]).wait()

    gather_start(0, 0)

    def visit(g, b):
        bn = 1 - b
        gather_wait(g, b)

        @pl.when(g >= 1)
        def _():
            out_drain(bn)

        @pl.when(g + 1 < NCHUNK)
        def _():
            gather_start(g + 1, bn)

        out_start(g, b)

    def pair(k2, _):
        visit(2 * k2, 0)
        visit(2 * k2 + 1, 1)
        return 0

    lax.fori_loop(0, NPAIR, pair, 0)
    out_drain(1)


TC_ELEMS = 32


def _tc_add_body(gath_ref, pos_ref, out_ref):
    p = pos_ref[...]
    for k in range(TC_ELEMS):
        out_ref[k] = gath_ref[k * PADDED_POS:k * PADDED_POS + NUM_POS, :] + p


@jax.jit
def _run(idx, token_embedding, position_embedding):
    mesh = plsc.VectorSubcoreMesh(core_axis_name="c", subcore_axis_name="s")
    gather_k = pl.kernel(
        _sc_body,
        out_type=jax.ShapeDtypeStruct((B2, EMBED), jnp.float32),
        mesh=mesh,
        scratch_types=[
            pltpu.VMEM((ROWS_PER_W,), jnp.int32),
            pltpu.VMEM((CHUNK, EMBED), jnp.float32),
            pltpu.VMEM((CHUNK, EMBED), jnp.float32),
            pltpu.SemaphoreType.DMA,
            pltpu.SemaphoreType.DMA,
            pltpu.SemaphoreType.DMA,
            pltpu.SemaphoreType.DMA,
        ],
    )
    gath = gather_k(token_embedding, idx)

    add_k = pl.pallas_call(
        _tc_add_body,
        out_shape=jax.ShapeDtypeStruct((BATCH, NUM_POS, EMBED), jnp.float32),
        grid=(BATCH // TC_ELEMS,),
        in_specs=[
            pl.BlockSpec((TC_ELEMS * PADDED_POS, EMBED), lambda i: (i, 0)),
            pl.BlockSpec((NUM_POS, EMBED), lambda i: (0, 0)),
        ],
        out_specs=pl.BlockSpec((TC_ELEMS, NUM_POS, EMBED),
                               lambda i: (i, 0, 0)),
    )
    return add_k(gath, position_embedding)


def kernel(input_tokens, token_embedding, position_embedding):
    tokens = input_tokens.astype(jnp.int32)
    cols = jnp.minimum(jnp.arange(PADDED_POS), NUM_POS - 1)
    idx = tokens[:, cols].reshape(-1)
    return _run(idx, token_embedding, position_embedding)

# --- scband reference (transcript-rebuilt; emitter-appended) ---
"""Pipeline reference for scband-clipembeddings-20650202759599 (READ-ONLY COPY).

The authoritative reference and input builder live on the scoring server;
editing this copy changes nothing except your own understanding.
"""

import jax, jax.numpy as jnp
import numpy as np

VOCAB = 49408
EMBED = 768
NUM_POS = 77
BATCH = 4096


def setup_inputs(seed: int = 0) -> dict:
    key = jax.random.key(seed)
    k1, k2, k3 = jax.random.split(key, 3)
    input_tokens = jax.random.randint(k1, (BATCH, NUM_POS), 0, VOCAB, dtype=jnp.int64 if jax.config.jax_enable_x64 else jnp.int32)
    token_embedding = jax.random.normal(k2, (VOCAB, EMBED), dtype=jnp.float32) * 0.02
    position_embedding = jax.random.normal(k3, (NUM_POS, EMBED), dtype=jnp.float32) * 0.02
    return {
        "input_tokens": input_tokens,
        "token_embedding": token_embedding,
        "position_embedding": position_embedding,
    }


def reference(input_tokens, token_embedding, position_embedding):
    # token_embedding(input_tokens) -> gather rows
    tok = jnp.take(token_embedding, input_tokens, axis=0)  # [B, 77, E]
    # + position_embedding.weight (broadcast over batch)
    return tok + position_embedding[None, :, :]

if __name__ == "__main__":
    import jax
    _d = setup_inputs()
    print(jax.jit(kernel)(*tuple(_d.values())))

</pallas_src>

<mosaic_0001>
#map = affine_map<(d0, d1) -> (0, 0)>
#map1 = affine_map<(d0, d1) -> (0)>
module attributes {stable_mosaic.version = 14 : i64} {
  func.func @_sc_body(%arg0: i32, %arg1: i32, %arg2: memref<49408x768xf32, #tpu.memory_space<hbm>>, %arg3: memref<327680xi32, #tpu.memory_space<hbm>>, %arg4: memref<327680x768xf32, #tpu.memory_space<hbm>>, %arg5: memref<10240xi32, #tpu.memory_space<vmem>>, %arg6: memref<64x768xf32, #tpu.memory_space<vmem>>, %arg7: memref<64x768xf32, #tpu.memory_space<vmem>>, %arg8: memref<!tpu.dma_semaphore, #tpu.memory_space<semaphore_mem>>, %arg9: memref<!tpu.dma_semaphore, #tpu.memory_space<semaphore_mem>>, %arg10: memref<!tpu.dma_semaphore, #tpu.memory_space<semaphore_mem>>, %arg11: memref<!tpu.dma_semaphore, #tpu.memory_space<semaphore_mem>>) attributes {dimension_semantics = [#tpu.dimension_semantics<core_parallel>, #tpu.dimension_semantics<subcore_parallel>], iteration_bounds = array<i64: 2, 16>, scalar_prefetch = 0 : i64, scratch_operands = 7 : i64, tpu.core_type = #tpu.core_type<sc_vector_subcore>, window_params = [{transform_indices = #map}, {transform_indices = #map1}, {transform_indices = #map}]} {
    %mul3A = arith.constant 2 : i32
    %mul3A_0 = arith.muli %arg1, %mul3A : i32
    %add3A = arith.addi %mul3A_0, %arg0 : i32
    %mul3A_1 = arith.constant 10240 : i32
    %mul3A_2 = arith.muli %add3A, %mul3A_1 : i32
    "tpu.region"() ({
      %run_scoped3A = tpu.sem_alloc : memref<!tpu.dma_semaphore, #tpu.memory_space<semaphore_mem>>
      %dma_start3A_16 = tpu.memref_slice %arg3[%mul3A_2] : memref<327680xi32, #tpu.memory_space<hbm>> -> memref<10240xi32, #tpu.memory_space<hbm>>
      %dma_start3A_17 = tpu.memref_slice %arg3[%mul3A_2] : memref<327680xi32, #tpu.memory_space<hbm>> -> memref<10240xi32, #tpu.memory_space<hbm>>
      tpu.enqueue_dma source(%dma_start3A_17 : memref<10240xi32, #tpu.memory_space<hbm>>) target(%arg5 : memref<10240xi32, #tpu.memory_space<vmem>>) target_semaphore(%run_scoped3A : memref<!tpu.dma_semaphore, #tpu.memory_space<semaphore_mem>>)
      %dma_wait3A_18 = tpu.memref_slice %arg3[%mul3A_2] : memref<327680xi32, #tpu.memory_space<hbm>> -> memref<10240xi32, #tpu.memory_space<hbm>>
      %dma_wait3A_19 = tpu.memref_slice %arg3[%mul3A_2] : memref<327680xi32, #tpu.memory_space<hbm>> -> memref<10240xi32, #tpu.memory_space<hbm>>
      tpu.wait_dma2 semaphore(%run_scoped3A : memref<!tpu.dma_semaphore, #tpu.memory_space<semaphore_mem>>) src(%dma_wait3A_19 : memref<10240xi32, #tpu.memory_space<hbm>>) dst(%arg5 : memref<10240xi32, #tpu.memory_space<vmem>>)
      tpu.yield
    }) : () -> ()
    %dma_start3A = arith.constant 0 : i32
    %dma_start3A_3 = tpu.memref_slice %arg5[%dma_start3A] : memref<10240xi32, #tpu.memory_space<vmem>> -> memref<64xi32, #tpu.memory_space<vmem>>
    %dma_start3A_4 = arith.constant 0 : i32
    %dma_start3A_5 = arith.constant 0 : i32
    %dma_start3A_6 = tpu.memref_slice %arg2[%dma_start3A_4, %dma_start3A_5] : memref<49408x768xf32, #tpu.memory_space<hbm>> -> memref<49408x768xf32, #tpu.memory_space<hbm>>
    tpu.enqueue_indirect_dma source(%dma_start3A_6 : memref<49408x768xf32, #tpu.memory_space<hbm>>) target(%arg6 : memref<64x768xf32, #tpu.memory_space<vmem>>) offsets(%dma_start3A_3 : memref<64xi32, #tpu.memory_space<vmem>>) semaphore(%arg8 : memref<!tpu.dma_semaphore, #tpu.memory_space<semaphore_mem>>)
    %scan3A = arith.constant 0 : i32
    %scan3A_7 = arith.constant 0 : i32
    %scan3A_8 = arith.constant 80 : i32
    %scan3A_9 = arith.addi %scan3A_7, %scan3A_8 : i32
    %scan3A_10 = arith.constant 1 : i32
    %scan3A_11 = scf.for %scan3A_16 = %scan3A_7 to %scan3A_9 step %scan3A_10 iter_args(%scan3A_17 = %scan3A) -> (i32)  : i32 {
      %mul3A_18 = arith.constant 2 : i32
      %mul3A_19 = arith.muli %mul3A_18, %scan3A_16 : i32
      %mul3A_20 = arith.constant 64 : i32
      %mul3A_21 = arith.muli %mul3A_19, %mul3A_20 : i32
      %dma_wait3A_22 = tpu.memref_slice %arg5[%mul3A_21] : memref<10240xi32, #tpu.memory_space<vmem>> -> memref<64xi32, #tpu.memory_space<vmem>>
      %dma_wait3A_23 = arith.constant 0 : i32
      %dma_wait3A_24 = arith.constant 0 : i32
      %dma_wait3A_25 = tpu.memref_slice %arg2[%dma_wait3A_23, %dma_wait3A_24] : memref<49408x768xf32, #tpu.memory_space<hbm>> -> memref<49408x768xf32, #tpu.memory_space<hbm>>
      tpu.wait_indirect_dma semaphore(%arg8 : memref<!tpu.dma_semaphore, #tpu.memory_space<semaphore_mem>>) src(%dma_wait3A_25 : memref<49408x768xf32, #tpu.memory_space<hbm>>) dst(%arg6 : memref<64x768xf32, #tpu.memory_space<vmem>>)
      %ge3A = arith.constant 1 : i32
      %ge3A_26 = arith.cmpi sge, %mul3A_19, %ge3A : i32
      %convert_element_type3A = arith.extui %ge3A_26 : i1 to i32
      %cond3A = arith.constant 0 : i32
      %cond3A_27 = arith.cmpi ne, %convert_element_type3A, %cond3A : i32
      scf.if %cond3A_27 {
        %dma_wait3A_71 = arith.constant 0 : i32
        %dma_wait3A_72 = tpu.memref_slice %arg4[%mul3A_2, %dma_wait3A_71] : memref<327680x768xf32, #tpu.memory_space<hbm>> -> memref<64x768xf32, #tpu.memory_space<hbm>>
        %dma_wait3A_73 = arith.constant 0 : i32
        %dma_wait3A_74 = tpu.memref_slice %arg4[%mul3A_2, %dma_wait3A_73] : memref<327680x768xf32, #tpu.memory_space<hbm>> -> memref<64x768xf32, #tpu.memory_space<hbm>>
        tpu.wait_dma2 semaphore(%arg11 : memref<!tpu.dma_semaphore, #tpu.memory_space<semaphore_mem>>) src(%arg7 : memref<64x768xf32, #tpu.memory_space<vmem>>) dst(%dma_wait3A_74 : memref<64x768xf32, #tpu.memory_space<hbm>>)
      } else {
      }
      %add3A_28 = arith.constant 1 : i32
      %add3A_29 = arith.addi %mul3A_19, %add3A_28 : i32
      %lt3A = arith.constant 160 : i32
      %lt3A_30 = arith.cmpi slt, %add3A_29, %lt3A : i32
      %convert_element_type3A_31 = arith.extui %lt3A_30 : i1 to i32
      %cond3A_32 = arith.constant 0 : i32
      %cond3A_33 = arith.cmpi ne, %convert_element_type3A_31, %cond3A_32 : i32
      scf.if %cond3A_33 {
        %add3A_71 = arith.constant 1 : i32
        %add3A_72 = arith.addi %mul3A_19, %add3A_71 : i32
        %mul3A_73 = arith.constant 64 : i32
        %mul3A_74 = arith.muli %add3A_72, %mul3A_73 : i32
        %dma_start3A_75 = tpu.memref_slice %arg5[%mul3A_74] : memref<10240xi32, #tpu.memory_space<vmem>> -> memref<64xi32, #tpu.memory_space<vmem>>
        %dma_start3A_76 = arith.constant 0 : i32
        %dma_start3A_77 = arith.constant 0 : i32
        %dma_start3A_78 = tpu.memref_slice %arg2[%dma_start3A_76, %dma_start3A_77] : memref<49408x768xf32, #tpu.memory_space<hbm>> -> memref<49408x768xf32, #tpu.memory_space<hbm>>
        tpu.enqueue_indirect_dma source(%dma_start3A_78 : memref<49408x768xf32, #tpu.memory_space<hbm>>) target(%arg7 : memref<64x768xf32, #tpu.memory_space<vmem>>) offsets(%dma_start3A_75 : memref<64xi32, #tpu.memory_space<vmem>>) semaphore(%arg9 : memref<!tpu.dma_semaphore, #tpu.memory_space<semaphore_mem>>)
      } else {
      }
      %mul3A_34 = arith.constant 64 : i32
      %mul3A_35 = arith.muli %mul3A_19, %mul3A_34 : i32
      %add3A_36 = arith.addi %mul3A_2, %mul3A_35 : i32
      %dma_start3A_37 = arith.constant 0 : i32
      %dma_start3A_38 = tpu.memref_slice %arg4[%add3A_36, %dma_start3A_37] : memref<327680x768xf32, #tpu.memory_space<hbm>> -> memref<64x768xf32, #tpu.memory_space<hbm>>
      %dma_start3A_39 = arith.constant 0 : i32
      %dma_start3A_40 = tpu.memref_slice %arg4[%add3A_36, %dma_start3A_39] : memref<327680x768xf32, #tpu.memory_space<hbm>> -> memref<64x768xf32, #tpu.memory_space<hbm>>
      tpu.enqueue_dma source(%arg6 : memref<64x768xf32, #tpu.memory_space<vmem>>) target(%dma_start3A_40 : memref<64x768xf32, #tpu.memory_space<hbm>>) target_semaphore(%arg10 : memref<!tpu.dma_semaphore, #tpu.memory_space<semaphore_mem>>)
      %mul3A_41 = arith.constant 2 : i32
      %mul3A_42 = arith.muli %mul3A_41, %scan3A_16 : i32
      %add3A_43 = arith.constant 1 : i32
      %add3A_44 = arith.addi %mul3A_42, %add3A_43 : i32
      %mul3A_45 = arith.constant 64 : i32
      %mul3A_46 = arith.muli %add3A_44, %mul3A_45 : i32
      %dma_wait3A_47 = tpu.memref_slice %arg5[%mul3A_46] : memref<10240xi32, #tpu.memory_space<vmem>> -> memref<64xi32, #tpu.memory_space<vmem>>
      %dma_wait3A_48 = arith.constant 0 : i32
      %dma_wait3A_49 = arith.constant 0 : i32
      %dma_wait3A_50 = tpu.memref_slice %arg2[%dma_wait3A_48, %dma_wait3A_49] : memref<49408x768xf32, #tpu.memory_space<hbm>> -> memref<49408x768xf32, #tpu.memory_space<hbm>>
      tpu.wait_indirect_dma semaphore(%arg9 : memref<!tpu.dma_semaphore, #tpu.memory_space<semaphore_mem>>) src(%dma_wait3A_50 : memref<49408x768xf32, #tpu.memory_space<hbm>>) dst(%arg7 : memref<64x768xf32, #tpu.memory_space<vmem>>)
      %ge3A_51 = arith.constant 1 : i32
      %ge3A_52 = arith.cmpi sge, %add3A_44, %ge3A_51 : i32
      %convert_element_type3A_53 = arith.extui %ge3A_52 : i1 to i32
      %cond3A_54 = arith.constant 0 : i32
      %cond3A_55 = arith.cmpi ne, %convert_element_type3A_53, %cond3A_54 : i32
      scf.if %cond3A_55 {
        %dma_wait3A_71 = arith.constant 0 : i32
        %dma_wait3A_72 = tpu.memref_slice %arg4[%mul3A_2, %dma_wait3A_71] : memref<327680x768xf32, #tpu.memory_space<hbm>> -> memref<64x768xf32, #tpu.memory_space<hbm>>
        %dma_wait3A_73 = arith.constant 0 : i32
        %dma_wait3A_74 = tpu.memref_slice %arg4[%mul3A_2, %dma_wait3A_73] : memref<327680x768xf32, #tpu.memory_space<hbm>> -> memref<64x768xf32, #tpu.memory_space<hbm>>
        tpu.wait_dma2 semaphore(%arg10 : memref<!tpu.dma_semaphore, #tpu.memory_space<semaphore_mem>>) src(%arg6 : memref<64x768xf32, #tpu.memory_space<vmem>>) dst(%dma_wait3A_74 : memref<64x768xf32, #tpu.memory_space<hbm>>)
      } else {
      }
      %add3A_56 = arith.constant 1 : i32
      %add3A_57 = arith.addi %add3A_44, %add3A_56 : i32
      %lt3A_58 = arith.constant 160 : i32
      %lt3A_59 = arith.cmpi slt, %add3A_57, %lt3A_58 : i32
      %convert_element_type3A_60 = arith.extui %lt3A_59 : i1 to i32
      %cond3A_61 = arith.constant 0 : i32
      %cond3A_62 = arith.cmpi ne, %convert_element_type3A_60, %cond3A_61 : i32
      scf.if %cond3A_62 {
        %add3A_71 = arith.constant 1 : i32
        %add3A_72 = arith.addi %add3A_44, %add3A_71 : i32
        %mul3A_73 = arith.constant 64 : i32
        %mul3A_74 = arith.muli %add3A_72, %mul3A_73 : i32
        %dma_start3A_75 = tpu.memref_slice %arg5[%mul3A_74] : memref<10240xi32, #tpu.memory_space<vmem>> -> memref<64xi32, #tpu.memory_space<vmem>>
        %dma_start3A_76 = arith.constant 0 : i32
        %dma_start3A_77 = arith.constant 0 : i32
        %dma_start3A_78 = tpu.memref_slice %arg2[%dma_start3A_76, %dma_start3A_77] : memref<49408x768xf32, #tpu.memory_space<hbm>> -> memref<49408x768xf32, #tpu.memory_space<hbm>>
        tpu.enqueue_indirect_dma source(%dma_start3A_78 : memref<49408x768xf32, #tpu.memory_space<hbm>>) target(%arg6 : memref<64x768xf32, #tpu.memory_space<vmem>>) offsets(%dma_start3A_75 : memref<64xi32, #tpu.memory_space<vmem>>) semaphore(%arg8 : memref<!tpu.dma_semaphore, #tpu.memory_space<semaphore_mem>>)
      } else {
      }
      %mul3A_63 = arith.constant 64 : i32
      %mul3A_64 = arith.muli %add3A_44, %mul3A_63 : i32
      %add3A_65 = arith.addi %mul3A_2, %mul3A_64 : i32
      %dma_start3A_66 = arith.constant 0 : i32
      %dma_start3A_67 = tpu.memref_slice %arg4[%add3A_65, %dma_start3A_66] : memref<327680x768xf32, #tpu.memory_space<hbm>> -> memref<64x768xf32, #tpu.memory_space<hbm>>
      %dma_start3A_68 = arith.constant 0 : i32
      %dma_start3A_69 = tpu.memref_slice %arg4[%add3A_65, %dma_start3A_68] : memref<327680x768xf32, #tpu.memory_space<hbm>> -> memref<64x768xf32, #tpu.memory_space<hbm>>
      tpu.enqueue_dma source(%arg7 : memref<64x768xf32, #tpu.memory_space<vmem>>) target(%dma_start3A_69 : memref<64x768xf32, #tpu.memory_space<hbm>>) target_semaphore(%arg11 : memref<!tpu.dma_semaphore, #tpu.memory_space<semaphore_mem>>)
      %scan3A_70 = arith.constant 0 : i32
      scf.yield %scan3A_70 : i32
    }
    %scan3A_12 = arith.constant 80 : i32
    %dma_wait3A = arith.constant 0 : i32
    %dma_wait3A_13 = tpu.memref_slice %arg4[%mul3A_2, %dma_wait3A] : memref<327680x768xf32, #tpu.memory_space<hbm>> -> memref<64x768xf32, #tpu.memory_space<hbm>>
    %dma_wait3A_14 = arith.constant 0 : i32
    %dma_wait3A_15 = tpu.memref_slice %arg4[%mul3A_2, %dma_wait3A_14] : memref<327680x768xf32, #tpu.memory_space<hbm>> -> memref<64x768xf32, #tpu.memory_space<hbm>>
    tpu.wait_dma2 semaphore(%arg11 : memref<!tpu.dma_semaphore, #tpu.memory_space<semaphore_mem>>) src(%arg7 : memref<64x768xf32, #tpu.memory_space<vmem>>) dst(%dma_wait3A_15 : memref<64x768xf32, #tpu.memory_space<hbm>>)
    return
  }
}

module attributes {stable_mosaic.version = 14 : i64} {
  func.func @_tc_add_body(%arg0: i32, %arg1: memref<2560x768xf32, #tpu.memory_space<vmem>>, %arg2: memref<77x768xf32, #tpu.memory_space<vmem>>, %arg3: memref<32x77x768xf32, #tpu.memory_space<vmem>>) attributes {dimension_semantics = [#tpu.dimension_semantics<arbitrary>], iteration_bounds = array<i64: 128>, scalar_prefetch = 0 : i64, scratch_operands = 0 : i64, tpu.core_type = #tpu.core_type<tc>, window_params = [{transform_indices = @transform_0, window_bounds = array<i64: 2560, 768>}, {pipeline_mode = #tpu.pipeline_mode<synchronous>, transform_indices = @transform_1, window_bounds = array<i64: 77, 768>}, {transform_indices = @transform_2, window_bounds = array<i64: 32, 77, 768>}]} {
    %get3A = arith.constant 0 : index
    %get3A_0 = arith.constant 0 : index
    %get3A_1 = vector.load %arg2[%get3A, %get3A_0] : memref<77x768xf32, #tpu.memory_space<vmem>>, vector<77x768xf32>
    %get3A_2 = arith.constant 0 : index
    %get3A_3 = arith.constant 0 : index
    %get3A_4 = vector.load %arg1[%get3A_2, %get3A_3] : memref<2560x768xf32, #tpu.memory_space<vmem>>, vector<77x768xf32>
    %add3A = arith.addf %get3A_4, %get3A_1 : vector<77x768xf32>
    %swap3A = arith.constant 0 : index
    %swap3A_5 = arith.constant 0 : index
    %swap3A_6 = arith.constant 0 : index
    %swap3A_7 = vector.load %arg3[%swap3A, %swap3A_5, %swap3A_6] : memref<32x77x768xf32, #tpu.memory_space<vmem>>, vector<1x77x768xf32>
    %swap3A_8 = vector.shape_cast %swap3A_7 : vector<1x77x768xf32> to vector<77x768xf32>
    %swap3A_9 = vector.shape_cast %add3A : vector<77x768xf32> to vector<1x77x768xf32>
    tpu.vector_store %arg3[%swap3A, %swap3A_5, %swap3A_6], %swap3A_9 {strides = array<i32>} : memref<32x77x768xf32, #tpu.memory_space<vmem>>, vector<1x77x768xf32>,
    %get3A_10 = arith.constant 80 : index
    %get3A_11 = arith.constant 0 : index
    %get3A_12 = vector.load %arg1[%get3A_10, %get3A_11] : memref<2560x768xf32, #tpu.memory_space<vmem>>, vector<77x768xf32>
    %add3A_13 = arith.addf %get3A_12, %get3A_1 : vector<77x768xf32>
    %swap3A_14 = arith.constant 1 : index
    %swap3A_15 = arith.constant 0 : index
    %swap3A_16 = arith.constant 0 : index
    %swap3A_17 = vector.load %arg3[%swap3A_14, %swap3A_15, %swap3A_16] : memref<32x77x768xf32, #tpu.memory_space<vmem>>, vector<1x77x768xf32>
    %swap3A_18 = vector.shape_cast %swap3A_17 : vector<1x77x768xf32> to vector<77x768xf32>
    %swap3A_19 = vector.shape_cast %add3A_13 : vector<77x768xf32> to vector<1x77x768xf32>
    tpu.vector_store %arg3[%swap3A_14, %swap3A_15, %swap3A_16], %swap3A_19 {strides = array<i32>} : memref<32x77x768xf32, #tpu.memory_space<vmem>>, vector<1x77x768xf32>,
    %get3A_20 = arith.constant 160 : index
    %get3A_21 = arith.constant 0 : index
    %get3A_22 = vector.load %arg1[%get3A_20, %get3A_21] : memref<2560x768xf32, #tpu.memory_space<vmem>>, vector<77x768xf32>
    %add3A_23 = arith.addf %get3A_22, %get3A_1 : vector<77x768xf32>
    %swap3A_24 = arith.constant 2 : index
    %swap3A_25 = arith.constant 0 : index
    %swap3A_26 = arith.constant 0 : index
    %swap3A_27 = vector.load %arg3[%swap3A_24, %swap3A_25, %swap3A_26] : memref<32x77x768xf32, #tpu.memory_space<vmem>>, vector<1x77x768xf32>
    %swap3A_28 = vector.shape_cast %swap3A_27 : vector<1x77x768xf32> to vector<77x768xf32>
    %swap3A_29 = vector.shape_cast %add3A_23 : vector<77x768xf32> to vector<1x77x768xf32>
    tpu.vector_store %arg3[%swap3A_24, %swap3A_25, %swap3A_26], %swap3A_29 {strides = array<i32>} : memref<32x77x768xf32, #tpu.memory_space<vmem>>, vector<1x77x768xf32>,
    %get3A_30 = arith.constant 240 : index
    %get3A_31 = arith.constant 0 : index
    %get3A_32 = vector.load %arg1[%get3A_30, %get3A_31] : memref<2560x768xf32, #tpu.memory_space<vmem>>, vector<77x768xf32>
    %add3A_33 = arith.addf %get3A_32, %get3A_1 : vector<77x768xf32>
    %swap3A_34 = arith.constant 3 : index
    %swap3A_35 = arith.constant 0 : index
    %swap3A_36 = arith.constant 0 : index
    %swap3A_37 = vector.load %arg3[%swap3A_34, %swap3A_35, %swap3A_36] : memref<32x77x768xf32, #tpu.memory_space<vmem>>, vector<1x77x768xf32>
    %swap3A_38 = vector.shape_cast %swap3A_37 : vector<1x77x768xf32> to vector<77x768xf32>
    %swap3A_39 = vector.shape_cast %add3A_33 : vector<77x768xf32> to vector<1x77x768xf32>
    tpu.vector_store %arg3[%swap3A_34, %swap3A_35, %swap3A_36], %swap3A_39 {strides = array<i32>} : memref<32x77x768xf32, #tpu.memory_space<vmem>>, vector<1x77x768xf32>,
    %get3A_40 = arith.constant 320 : index
    %get3A_41 = arith.constant 0 : index
    %get3A_42 = vector.load %arg1[%get3A_40, %get3A_41] : memref<2560x768xf32, #tpu.memory_space<vmem>>, vector<77x768xf32>
    %add3A_43 = arith.addf %get3A_42, %get3A_1 : vector<77x768xf32>
    %swap3A_44 = arith.constant 4 : index
    %swap3A_45 = arith.constant 0 : index
    %swap3A_46 = arith.constant 0 : index
    %swap3A_47 = vector.load %arg3[%swap3A_44, %swap3A_45, %swap3A_46] : memref<32x77x768xf32, #tpu.memory_space<vmem>>, vector<1x77x768xf32>
    %swap3A_48 = vector.shape_cast %swap3A_47 : vector<1x77x768xf32> to vector<77x768xf32>
    %swap3A_49 = vector.shape_cast %add3A_43 : vector<77x768xf32> to vector<1x77x768xf32>
    tpu.vector_store %arg3[%swap3A_44, %swap3A_45, %swap3A_46], %swap3A_49 {strides = array<i32>} : memref<32x77x768xf32, #tpu.memory_space<vmem>>, vector<1x77x768xf32>,
    %get3A_50 = arith.constant 400 : index
    %get3A_51 = arith.constant 0 : index
    %get3A_52 = vector.load %arg1[%get3A_50, %get3A_51] : memref<2560x768xf32, #tpu.memory_space<vmem>>, vector<77x768xf32>
    %add3A_53 = arith.addf %get3A_52, %get3A_1 : vector<77x768xf32>
    %swap3A_54 = arith.constant 5 : index
    %swap3A_55 = arith.constant 0 : index
    %swap3A_56 = arith.constant 0 : index
    %swap3A_57 = vector.load %arg3[%swap3A_54, %swap3A_55, %swap3A_56] : memref<32x77x768xf32, #tpu.memory_space<vmem>>, vector<1x77x768xf32>
    %swap3A_58 = vector.shape_cast %swap3A_57 : vector<1x77x768xf32> to vector<77x768xf32>
    %swap3A_59 = vector.shape_cast %add3A_53 : vector<77x768xf32> to vector<1x77x768xf32>
    tpu.vector_store %arg3[%swap3A_54, %swap3A_55, %swap3A_56], %swap3A_59 {strides = array<i32>} : memref<32x77x768xf32, #tpu.memory_space<vmem>>, vector<1x77x768xf32>,
    %get3A_60 = arith.constant 480 : index
    %get3A_61 = arith.constant 0 : index
    %get3A_62 = vector.load %arg1[%get3A_60, %get3A_61] : memref<2560x768xf32, #tpu.memory_space<vmem>>, vector<77x768xf32>
    %add3A_63 = arith.addf %get3A_62, %get3A_1 : vector<77x768xf32>
    %swap3A_64 = arith.constant 6 : index
    %swap3A_65 = arith.constant 0 : index
    %swap3A_66 = arith.constant 0 : index
    %swap3A_67 = vector.load %arg3[%swap3A_64, %swap3A_65, %swap3A_66] : memref<32x77x768xf32, #tpu.memory_space<vmem>>, vector<1x77x768xf32>
    %swap3A_68 = vector.shape_cast %swap3A_67 : vector<1x77x768xf32> to vector<77x768xf32>
    %swap3A_69 = vector.shape_cast %add3A_63 : vector<77x768xf32> to vector<1x77x768xf32>
    tpu.vector_store %arg3[%swap3A_64, %swap3A_65, %swap3A_66], %swap3A_69 {strides = array<i32>} : memref<32x77x768xf32, #tpu.memory_space<vmem>>, vector<1x77x768xf32>,
    %get3A_70 = arith.constant 560 : index
    %get3A_71 = arith.constant 0 : index
    %get3A_72 = vector.load %arg1[%get3A_70, %get3A_71] : memref<2560x768xf32, #tpu.memory_space<vmem>>, vector<77x768xf32>
    %add3A_73 = arith.addf %get3A_72, %get3A_1 : vector<77x768xf32>
    %swap3A_74 = arith.constant 7 : index
    %swap3A_75 = arith.constant 0 : index
    %swap3A_76 = arith.constant 0 : index
    %swap3A_77 = vector.load %arg3[%swap3A_74, %swap3A_75, %swap3A_76] : memref<32x77x768xf32, #tpu.memory_space<vmem>>, vector<1x77x768xf32>
    %swap3A_78 = vector.shape_cast %swap3A_77 : vector<1x77x768xf32> to vector<77x768xf32>
    %swap3A_79 = vector.shape_cast %add3A_73 : vector<77x768xf32> to vector<1x77x768xf32>
    tpu.vector_store %arg3[%swap3A_74, %swap3A_75, %swap3A_76], %swap3A_79 {strides = array<i32>} : memref<32x77x768xf32, #tpu.memory_space<vmem>>, vector<1x77x768xf32>,
    %get3A_80 = arith.constant 640 : index
    %get3A_81 = arith.constant 0 : index
    %get3A_82 = vector.load %arg1[%get3A_80, %get3A_81] : memref<2560x768xf32, #tpu.memory_space<vmem>>, vector<77x768xf32>
    %add3A_83 = arith.addf %get3A_82, %get3A_1 : vector<77x768xf32>
    %swap3A_84 = arith.constant 8 : index
    %swap3A_85 = arith.constant 0 : index
    %swap3A_86 = arith.constant 0 : index
    %swap3A_87 = vector.load %arg3[%swap3A_84, %swap3A_85, %swap3A_86] : memref<32x77x768xf32, #tpu.memory_space<vmem>>, vector<1x77x768xf32>
    %swap3A_88 = vector.shape_cast %swap3A_87 : vector<1x77x768xf32> to vector<77x768xf32>
    %swap3A_89 = vector.shape_cast %add3A_83 : vector<77x768xf32> to vector<1x77x768xf32>
    tpu.vector_store %arg3[%swap3A_84, %swap3A_85, %swap3A_86], %swap3A_89 {strides = array<i32>} : memref<32x77x768xf32, #tpu.memory_space<vmem>>, vector<1x77x768xf32>,
    %get3A_90 = arith.constant 720 : index
    %get3A_91 = arith.constant 0 : index
    %get3A_92 = vector.load %arg1[%get3A_90, %get3A_91] : memref<2560x768xf32, #tpu.memory_space<vmem>>, vector<77x768xf32>
    %add3A_93 = arith.addf %get3A_92, %get3A_1 : vector<77x768xf32>
    %swap3A_94 = arith.constant 9 : index
    %swap3A_95 = arith.constant 0 : index
    %swap3A_96 = arith.constant 0 : index
    %swap3A_97 = vector.load %arg3[%swap3A_94, %swap3A_95, %swap3A_96] : memref<32x77x768xf32, #tpu.memory_space<vmem>>, vector<1x77x768xf32>
    %swap3A_98 = vector.shape_cast %swap3A_97 : vector<1x77x768xf32> to vector<77x768xf32>
    %swap3A_99 = vector.shape_cast %add3A_93 : vector<77x768xf32> to vector<1x77x768xf32>
    tpu.vector_store %arg3[%swap3A_94, %swap3A_95, %swap3A_96], %swap3A_99 {strides = array<i32>} : memref<32x77x768xf32, #tpu.memory_space<vmem>>, vector<1x77x768xf32>,
    %get3A_100 = arith.constant 800 : index
    %get3A_101 = arith.constant 0 : index
    %get3A_102 = vector.load %arg1[%get3A_100, %get3A_101] : memref<2560x768xf32, #tpu.memory_space<vmem>>, vector<77x768xf32>
    %add3A_103 = arith.addf %get3A_102, %get3A_1 : vector<77x768xf32>
    %swap3A_104 = arith.constant 10 : index
    %swap3A_105 = arith.constant 0 : index
    %swap3A_106 = arith.constant 0 : index
    %swap3A_107 = vector.load %arg3[%swap3A_104, %swap3A_105, %swap3A_106] : memref<32x77x768xf32, #tpu.memory_space<vmem>>, vector<1x77x768xf32>
    %swap3A_108 = vector.shape_cast %swap3A_107 : vector<1x77x768xf32> to vector<77x768xf32>
    %swap3A_109 = vector.shape_cast %add3A_103 : vector<77x768xf32> to vector<1x77x768xf32>
    tpu.vector_store %arg3[%swap3A_104, %swap3A_105, %swap3A_106], %swap3A_109 {strides = array<i32>} : memref<32x77x768xf32, #tpu.memory_space<vmem>>, vector<1x77x768xf32>,
    %get3A_110 = arith.constant 880 : index
    %get3A_111 = arith.constant 0 : index
    %get3A_112 = vector.load %arg1[%get3A_110, %get3A_111] : memref<2560x768xf32, #tpu.memory_space<vmem>>, vector<77x768xf32>
    %add3A_113 = arith.addf %get3A_112, %get3A_1 : vector<77x768xf32>
    %swap3A_114 = arith.constant 11 : index
    %swap3A_115 = arith.constant 0 : index
    %swap3A_116 = arith.constant 0 : index
    %swap3A_117 = vector.load %arg3[%swap3A_114, %swap3A_115, %swap3A_116] : memref<32x77x768xf32, #tpu.memory_space<vmem>>, vector<1x77x768xf32>
    %swap3A_118 = vector.shape_cast %swap3A_117 : vector<1x77x768xf32> to vector<77x768xf32>
    %swap3A_119 = vector.shape_cast %add3A_113 : vector<77x768xf32> to vector<1x77x768xf32>
    tpu.vector_store %arg3[%swap3A_114, %swap3A_115, %swap3A_116], %swap3A_119 {strides = array<i32>} : memref<32x77x768xf32, #tpu.memory_space<vmem>>, vector<1x77x768xf32>,
    %get3A_120 = arith.constant 960 : index
    %get3A_121 = arith.constant 0 : index
    %get3A_122 = vector.load %arg1[%get3A_120, %get3A_121] : memref<2560x768xf32, #tpu.memory_space<vmem>>, vector<77x768xf32>
    %add3A_123 = arith.addf %get3A_122, %get3A_1 : vector<77x768xf32>
    %swap3A_124 = arith.constant 12 : index
    %swap3A_125 = arith.constant 0 : index
    %swap3A_126 = arith.constant 0 : index
    %swap3A_127 = vector.load %arg3[%swap3A_124, %swap3A_125, %swap3A_126] : memref<32x77x768xf32, #tpu.memory_space<vmem>>, vector<1x77x768xf32>
    %swap3A_128 = vector.shape_cast %swap3A_127 : vector<1x77x768xf32> to vector<77x768xf32>
    %swap3A_129 = vector.shape_cast %add3A_123 : vector<77x768xf32> to vector<1x77x768xf32>
    tpu.vector_store %arg3[%swap3A_124, %swap3A_125, %swap3A_126], %swap3A_129 {strides = array<i32>} : memref<32x77x768xf32, #tpu.memory_space<vmem>>, vector<1x77x768xf32>,
    %get3A_130 = arith.constant 1040 : index
    %get3A_131 = arith.constant 0 : index
    %get3A_132 = vector.load %arg1[%get3A_130, %get3A_131] : memref<2560x768xf32, #tpu.memory_space<vmem>>, vector<77x768xf32>
    %add3A_133 = arith.addf %get3A_132, %get3A_1 : vector<77x768xf32>
    %swap3A_134 = arith.constant 13 : index
    %swap3A_135 = arith.constant 0 : index
    %swap3A_136 = arith.constant 0 : index
    %swap3A_137 = vector.load %arg3[%swap3A_134, %swap3A_135, %swap3A_136] : memref<32x77x768xf32, #tpu.memory_space<vmem>>, vector<1x77x768xf32>
    %swap3A_138 = vector.shape_cast %swap3A_137 : vector<1x77x768xf32> to vector<77x768xf32>
    %swap3A_139 = vector.shape_cast %add3A_133 : vector<77x768xf32> to vector<1x77x768xf32>
    tpu.vector_store %arg3[%swap3A_134, %swap3A_135, %swap3A_136], %swap3A_139 {strides = array<i32>} : memref<32x77x768xf32, #tpu.memory_space<vmem>>, vector<1x77x768xf32>,
    %get3A_140 = arith.constant 1120 : index
    %get3A_141 = arith.constant 0 : index
    %get3A_142 = vector.load %arg1[%get3A_140, %get3A_141] : memref<2560x768xf32, #tpu.memory_space<vmem>>, vector<77x768xf32>
    %add3A_143 = arith.addf %get3A_142, %get3A_1 : vector<77x768xf32>
    %swap3A_144 = arith.constant 14 : index
    %swap3A_145 = arith.constant 0 : index
    %swap3A_146 = arith.constant 0 : index
    %swap3A_147 = vector.load %arg3[%swap3A_144, %swap3A_145, %swap3A_146] : memref<32x77x768xf32, #tpu.memory_space<vmem>>, vector<1x77x768xf32>
    %swap3A_148 = vector.shape_cast %swap3A_147 : vector<1x77x768xf32> to vector<77x768xf32>
    %swap3A_149 = vector.shape_cast %add3A_143 : vector<77x768xf32> to vector<1x77x768xf32>
    tpu.vector_store %arg3[%swap3A_144, %swap3A_145, %swap3A_146], %swap3A_149 {strides = array<i32>} : memref<32x77x768xf32, #tpu.memory_space<vmem>>, vector<1x77x768xf32>,
    %get3A_150 = arith.constant 1200 : index
    %get3A_151 = arith.constant 0 : index
    %get3A_152 = vector.load %arg1[%get3A_150, %get3A_151] : memref<2560x768xf32, #tpu.memory_space<vmem>>, vector<77x768xf32>
    %add3A_153 = arith.addf %get3A_152, %get3A_1 : vector<77x768xf32>
    %swap3A_154 = arith.constant 15 : index
    %swap3A_155 = arith.constant 0 : index
    %swap3A_156 = arith.constant 0 : index
    %swap3A_157 = vector.load %arg3[%swap3A_154, %swap3A_155, %swap3A_156] : memref<32x77x768xf32, #tpu.memory_space<vmem>>, vector<1x77x768xf32>
    %swap3A_158 = vector.shape_cast %swap3A_157 : vector<1x77x768xf32> to vector<77x768xf32>
    %swap3A_159 = vector.shape_cast %add3A_153 : vector<77x768xf32> to vector<1x77x768xf32>
    tpu.vector_store %arg3[%swap3A_154, %swap3A_155, %swap3A_156], %swap3A_159 {strides = array<i32>} : memref<32x77x768xf32, #tpu.memory_space<vmem>>, vector<1x77x768xf32>,
    %get3A_160 = arith.constant 1280 : index
    %get3A_161 = arith.constant 0 : index
    %get3A_162 = vector.load %arg1[%get3A_160, %get3A_161] : memref<2560x768xf32, #tpu.memory_space<vmem>>, vector<77x768xf32>
    %add3A_163 = arith.addf %get3A_162, %get3A_1 : vector<77x768xf32>
    %swap3A_164 = arith.constant 16 : index
    %swap3A_165 = arith.constant 0 : index
    %swap3A_166 = arith.constant 0 : index
    %swap3A_167 = vector.load %arg3[%swap3A_164, %swap3A_165, %swap3A_166] : memref<32x77x768xf32, #tpu.memory_space<vmem>>, vector<1x77x768xf32>
    %swap3A_168 = vector.shape_cast %swap3A_167 : vector<1x77x768xf32> to vector<77x768xf32>
    %swap3A_169 = vector.shape_cast %add3A_163 : vector<77x768xf32> to vector<1x77x768xf32>
    tpu.vector_store %arg3[%swap3A_164, %swap3A_165, %swap3A_166], %swap3A_169 {strides = array<i32>} : memref<32x77x768xf32, #tpu.memory_space<vmem>>, vector<1x77x768xf32>,
    %get3A_170 = arith.constant 1360 : index
    %get3A_171 = arith.constant 0 : index
    %get3A_172 = vector.load %arg1[%get3A_170, %get3A_171] : memref<2560x768xf32, #tpu.memory_space<vmem>>, vector<77x768xf32>
    %add3A_173 = arith.addf %get3A_172, %get3A_1 : vector<77x768xf32>
    %swap3A_174 = arith.constant 17 : index
    %swap3A_175 = arith.constant 0 : index
    %swap3A_176 = arith.constant 0 : index
    %swap3A_177 = vector.load %arg3[%swap3A_174, %swap3A_175, %swap3A_176] : memref<32x77x768xf32, #tpu.memory_space<vmem>>, vector<1x77x768xf32>
    %swap3A_178 = vector.shape_cast %swap3A_177 : vector<1x77x768xf32> to vector<77x768xf32>
    %swap3A_179 = vector.shape_cast %add3A_173 : vector<77x768xf32> to vector<1x77x768xf32>
    tpu.vector_store %arg3[%swap3A_174, %swap3A_175, %swap3A_176], %swap3A_179 {strides = array<i32>} : memref<32x77x768xf32, #tpu.memory_space<vmem>>, vector<1x77x768xf32>,
    %get3A_180 = arith.constant 1440 : index
    %get3A_181 = arith.constant 0 : index
    %get3A_182 = vector.load %arg1[%get3A_180, %get3A_181] : memref<2560x768xf32, #tpu.memory_space<vmem>>, vector<77x768xf32>
    %add3A_183 = arith.addf %get3A_182, %get3A_1 : vector<77x768xf32>
    %swap3A_184 = arith.constant 18 : index
    %swap3A_185 = arith.constant 0 : index
    %swap3A_186 = arith.constant 0 : index
    %swap3A_187 = vector.load %arg3[%swap3A_184, %swap3A_185, %swap3A_186] : memref<32x77x768xf32, #tpu.memory_space<vmem>>, vector<1x77x768xf32>
    %swap3A_188 = vector.shape_cast %swap3A_187 : vector<1x77x768xf32> to vector<77x768xf32>
    %swap3A_189 = vector.shape_cast %add3A_183 : vector<77x768xf32> to vector<1x77x768xf32>
    tpu.vector_store %arg3[%swap3A_184, %swap3A_185, %swap3A_186], %swap3A_189 {strides = array<i32>} : memref<32x77x768xf32, #tpu.memory_space<vmem>>, vector<1x77x768xf32>,
    %get3A_190 = arith.constant 1520 : index
    %get3A_191 = arith.constant 0 : index
    %get3A_192 = vector.load %arg1[%get3A_190, %get3A_191] : memref<2560x768xf32, #tpu.memory_space<vmem>>, vector<77x768xf32>
    %add3A_193 = arith.addf %get3A_192, %get3A_1 : vector<77x768xf32>
    %swap3A_194 = arith.constant 19 : index
    %swap3A_195 = arith.constant 0 : index
    %swap3A_196 = arith.constant 0 : index
    %swap3A_197 = vector.load %arg3[%swap3A_194, %swap3A_195, %swap3A_196] : memref<32x77x768xf32, #tpu.memory_space<vmem>>, vector<1x77x768xf32>
    %swap3A_198 = vector.shape_cast %swap3A_197 : vector<1x77x768xf32> to vector<77x768xf32>
    %swap3A_199 = vector.shape_cast %add3A_193 : vector<77x768xf32> to vector<1x77x768xf32>
    tpu.vector_store %arg3[%swap3A_194, %swap3A_195, %swap3A_196], %swap3A_199 {strides = array<i32>} : memref<32x77x768xf32, #tpu.memory_space<vmem>>, vector<1x77x768xf32>,
    %get3A_200 = arith.constant 1600 : index
    %get3A_201 = arith.constant 0 : index
    %get3A_202 = vector.load %arg1[%get3A_200, %get3A_201] : memref<2560x768xf32, #tpu.memory_space<vmem>>, vector<77x768xf32>
    %add3A_203 = arith.addf %get3A_202, %get3A_1 : vector<77x768xf32>
    %swap3A_204 = arith.constant 20 : index
    %swap3A_205 = arith.constant 0 : index
    %swap3A_206 = arith.constant 0 : index
    %swap3A_207 = vector.load %arg3[%swap3A_204, %swap3A_205, %swap3A_206] : memref<32x77x768xf32, #tpu.memory_space<vmem>>, vector<1x77x768xf32>
    %swap3A_208 = vector.shape_cast %swap3A_207 : vector<1x77x768xf32> to vector<77x768xf32>
    %swap3A_209 = vector.shape_cast %add3A_203 : vector<77x768xf32> to vector<1x77x768xf32>
    tpu.vector_store %arg3[%swap3A_204, %swap3A_205, %swap3A_206], %swap3A_209 {strides = array<i32>} : memref<32x77x768xf32, #tpu.memory_space<vmem>>, vector<1x77x768xf32>,
    %get3A_210 = arith.constant 1680 : index
    %get3A_211 = arith.constant 0 : index
    %get3A_212 = vector.load %arg1[%get3A_210, %get3A_211] : memref<2560x768xf32, #tpu.memory_space<vmem>>, vector<77x768xf32>
    %add3A_213 = arith.addf %get3A_212, %get3A_1 : vector<77x768xf32>
    %swap3A_214 = arith.constant 21 : index
    %swap3A_215 = arith.constant 0 : index
    %swap3A_216 = arith.constant 0 : index
    %swap3A_217 = vector.load %arg3[%swap3A_214, %swap3A_215, %swap3A_216] : memref<32x77x768xf32, #tpu.memory_space<vmem>>, vector<1x77x768xf32>
    %swap3A_218 = vector.shape_cast %swap3A_217 : vector<1x77x768xf32> to vector<77x768xf32>
    %swap3A_219 = vector.shape_cast %add3A_213 : vector<77x768xf32> to vector<1x77x768xf32>
    tpu.vector_store %arg3[%swap3A_214, %swap3A_215, %swap3A_216], %swap3A_219 {strides = array<i32>} : memref<32x77x768xf32, #tpu.memory_space<vmem>>, vector<1x77x768xf32>,
    %get3A_220 = arith.constant 1760 : index
    %get3A_221 = arith.constant 0 : index
    %get3A_222 = vector.load %arg1[%get3A_220, %get3A_221] : memref<2560x768xf32, #tpu.memory_space<vmem>>, vector<77x768xf32>
    %add3A_223 = arith.addf %get3A_222, %get3A_1 : vector<77x768xf32>
    %swap3A_224 = arith.constant 22 : index
    %swap3A_225 = arith.constant 0 : index
    %swap3A_226 = arith.constant 0 : index
    %swap3A_227 = vector.load %arg3[%swap3A_224, %swap3A_225, %swap3A_226] : memref<32x77x768xf32, #tpu.memory_space<vmem>>, vector<1x77x768xf32>
    %swap3A_228 = vector.shape_cast %swap3A_227 : vector<1x77x768xf32> to vector<77x768xf32>
    %swap3A_229 = vector.shape_cast %add3A_223 : vector<77x768xf32> to vector<1x77x768xf32>
    tpu.vector_store %arg3[%swap3A_224, %swap3A_225, %swap3A_226], %swap3A_229 {strides = array<i32>} : memref<32x77x768xf32, #tpu.memory_space<vmem>>, vector<1x77x768xf32>,
    %get3A_230 = arith.constant 1840 : index
    %get3A_231 = arith.constant 0 : index
    %get3A_232 = vector.load %arg1[%get3A_230, %get3A_231] : memref<2560x768xf32, #tpu.memory_space<vmem>>, vector<77x768xf32>
    %add3A_233 = arith.addf %get3A_232, %get3A_1 : vector<77x768xf32>
    %swap3A_234 = arith.constant 23 : index
    %swap3A_235 = arith.constant 0 : index
    %swap3A_236 = arith.constant 0 : index
    %swap3A_237 = vector.load %arg3[%swap3A_234, %swap3A_235, %swap3A_236] : memref<32x77x768xf32, #tpu.memory_space<vmem>>, vector<1x77x768xf32>
    %swap3A_238 = vector.shape_cast %swap3A_237 : vector<1x77x768xf32> to vector<77x768xf32>
    %swap3A_239 = vector.shape_cast %add3A_233 : vector<77x768xf32> to vector<1x77x768xf32>
    tpu.vector_store %arg3[%swap3A_234, %swap3A_235, %swap3A_236], %swap3A_239 {strides = array<i32>} : memref<32x77x768xf32, #tpu.memory_space<vmem>>, vector<1x77x768xf32>,
    %get3A_240 = arith.constant 1920 : index
    %get3A_241 = arith.constant 0 : index
    %get3A_242 = vector.load %arg1[%get3A_240, %get3A_241] : memref<2560x768xf32, #tpu.memory_space<vmem>>, vector<77x768xf32>
    %add3A_243 = arith.addf %get3A_242, %get3A_1 : vector<77x768xf32>
    %swap3A_244 = arith.constant 24 : index
    %swap3A_245 = arith.constant 0 : index
    %swap3A_246 = arith.constant 0 : index
    %swap3A_247 = vector.load %arg3[%swap3A_244, %swap3A_245, %swap3A_246] : memref<32x77x768xf32, #tpu.memory_space<vmem>>, vector<1x77x768xf32>
    %swap3A_248 = vector.shape_cast %swap3A_247 : vector<1x77x768xf32> to vector<77x768xf32>
    %swap3A_249 = vector.shape_cast %add3A_243 : vector<77x768xf32> to vector<1x77x768xf32>
    tpu.vector_store %arg3[%swap3A_244, %swap3A_245, %swap3A_246], %swap3A_249 {strides = array<i32>} : memref<32x77x768xf32, #tpu.memory_space<vmem>>, vector<1x77x768xf32>,
    %get3A_250 = arith.constant 2000 : index
    %get3A_251 = arith.constant 0 : index
    %get3A_252 = vector.load %arg1[%get3A_250, %get3A_251] : memref<2560x768xf32, #tpu.memory_space<vmem>>, vector<77x768xf32>
    %add3A_253 = arith.addf %get3A_252, %get3A_1 : vector<77x768xf32>
    %swap3A_254 = arith.constant 25 : index
    %swap3A_255 = arith.constant 0 : index
    %swap3A_256 = arith.constant 0 : index
    %swap3A_257 = vector.load %arg3[%swap3A_254, %swap3A_255, %swap3A_256] : memref<32x77x768xf32, #tpu.memory_space<vmem>>, vector<1x77x768xf32>
    %swap3A_258 = vector.shape_cast %swap3A_257 : vector<1x77x768xf32> to vector<77x768xf32>
    %swap3A_259 = vector.shape_cast %add3A_253 : vector<77x768xf32> to vector<1x77x768xf32>
    tpu.vector_store %arg3[%swap3A_254, %swap3A_255, %swap3A_256], %swap3A_259 {strides = array<i32>} : memref<32x77x768xf32, #tpu.memory_space<vmem>>, vector<1x77x768xf32>,
    %get3A_260 = arith.constant 2080 : index
    %get3A_261 = arith.constant 0 : index
    %get3A_262 = vector.load %arg1[%get3A_260, %get3A_261] : memref<2560x768xf32, #tpu.memory_space<vmem>>, vector<77x768xf32>
    %add3A_263 = arith.addf %get3A_262, %get3A_1 : vector<77x768xf32>
    %swap3A_264 = arith.constant 26 : index
    %swap3A_265 = arith.constant 0 : index
    %swap3A_266 = arith.constant 0 : index
    %swap3A_267 = vector.load %arg3[%swap3A_264, %swap3A_265, %swap3A_266] : memref<32x77x768xf32, #tpu.memory_space<vmem>>, vector<1x77x768xf32>
    %swap3A_268 = vector.shape_cast %swap3A_267 : vector<1x77x768xf32> to vector<77x768xf32>
    %swap3A_269 = vector.shape_cast %add3A_263 : vector<77x768xf32> to vector<1x77x768xf32>
    tpu.vector_store %arg3[%swap3A_264, %swap3A_265, %swap3A_266], %swap3A_269 {strides = array<i32>} : memref<32x77x768xf32, #tpu.memory_space<vmem>>, vector<1x77x768xf32>,
    %get3A_270 = arith.constant 2160 : index
    %get3A_271 = arith.constant 0 : index
    %get3A_272 = vector.load %arg1[%get3A_270, %get3A_271] : memref<2560x768xf32, #tpu.memory_space<vmem>>, vector<77x768xf32>
    %add3A_273 = arith.addf %get3A_272, %get3A_1 : vector<77x768xf32>
    %swap3A_274 = arith.constant 27 : index
    %swap3A_275 = arith.constant 0 : index
    %swap3A_276 = arith.constant 0 : index
    %swap3A_277 = vector.load %arg3[%swap3A_274, %swap3A_275, %swap3A_276] : memref<32x77x768xf32, #tpu.memory_space<vmem>>, vector<1x77x768xf32>
    %swap3A_278 = vector.shape_cast %swap3A_277 : vector<1x77x768xf32> to vector<77x768xf32>
    %swap3A_279 = vector.shape_cast %add3A_273 : vector<77x768xf32> to vector<1x77x768xf32>
    tpu.vector_store %arg3[%swap3A_274, %swap3A_275, %swap3A_276], %swap3A_279 {strides = array<i32>} : memref<32x77x768xf32, #tpu.memory_space<vmem>>, vector<1x77x768xf32>,
    %get3A_280 = arith.constant 2240 : index
    %get3A_281 = arith.constant 0 : index
    %get3A_282 = vector.load %arg1[%get3A_280, %get3A_281] : memref<2560x768xf32, #tpu.memory_space<vmem>>, vector<77x768xf32>
    %add3A_283 = arith.addf %get3A_282, %get3A_1 : vector<77x768xf32>
    %swap3A_284 = arith.constant 28 : index
    %swap3A_285 = arith.constant 0 : index
    %swap3A_286 = arith.constant 0 : index
    %swap3A_287 = vector.load %arg3[%swap3A_284, %swap3A_285, %swap3A_286] : memref<32x77x768xf32, #tpu.memory_space<vmem>>, vector<1x77x768xf32>
    %swap3A_288 = vector.shape_cast %swap3A_287 : vector<1x77x768xf32> to vector<77x768xf32>
    %swap3A_289 = vector.shape_cast %add3A_283 : vector<77x768xf32> to vector<1x77x768xf32>
    tpu.vector_store %arg3[%swap3A_284, %swap3A_285, %swap3A_286], %swap3A_289 {strides = array<i32>} : memref<32x77x768xf32, #tpu.memory_space<vmem>>, vector<1x77x768xf32>,
    %get3A_290 = arith.constant 2320 : index
    %get3A_291 = arith.constant 0 : index
    %get3A_292 = vector.load %arg1[%get3A_290, %get3A_291] : memref<2560x768xf32, #tpu.memory_space<vmem>>, vector<77x768xf32>
    %add3A_293 = arith.addf %get3A_292, %get3A_1 : vector<77x768xf32>
    %swap3A_294 = arith.constant 29 : index
    %swap3A_295 = arith.constant 0 : index
    %swap3A_296 = arith.constant 0 : index
    %swap3A_297 = vector.load %arg3[%swap3A_294, %swap3A_295, %swap3A_296] : memref<32x77x768xf32, #tpu.memory_space<vmem>>, vector<1x77x768xf32>
    %swap3A_298 = vector.shape_cast %swap3A_297 : vector<1x77x768xf32> to vector<77x768xf32>
    %swap3A_299 = vector.shape_cast %add3A_293 : vector<77x768xf32> to vector<1x77x768xf32>
    tpu.vector_store %arg3[%swap3A_294, %swap3A_295, %swap3A_296], %swap3A_299 {strides = array<i32>} : memref<32x77x768xf32, #tpu.memory_space<vmem>>, vector<1x77x768xf32>,
    %get3A_300 = arith.constant 2400 : index
    %get3A_301 = arith.constant 0 : index
    %get3A_302 = vector.load %arg1[%get3A_300, %get3A_301] : memref<2560x768xf32, #tpu.memory_space<vmem>>, vector<77x768xf32>
    %add3A_303 = arith.addf %get3A_302, %get3A_1 : vector<77x768xf32>
    %swap3A_304 = arith.constant 30 : index
    %swap3A_305 = arith.constant 0 : index
    %swap3A_306 = arith.constant 0 : index
    %swap3A_307 = vector.load %arg3[%swap3A_304, %swap3A_305, %swap3A_306] : memref<32x77x768xf32, #tpu.memory_space<vmem>>, vector<1x77x768xf32>
    %swap3A_308 = vector.shape_cast %swap3A_307 : vector<1x77x768xf32> to vector<77x768xf32>
    %swap3A_309 = vector.shape_cast %add3A_303 : vector<77x768xf32> to vector<1x77x768xf32>
    tpu.vector_store %arg3[%swap3A_304, %swap3A_305, %swap3A_306], %swap3A_309 {strides = array<i32>} : memref<32x77x768xf32, #tpu.memory_space<vmem>>, vector<1x77x768xf32>,
    %get3A_310 = arith.constant 2480 : index
    %get3A_311 = arith.constant 0 : index
    %get3A_312 = vector.load %arg1[%get3A_310, %get3A_311] : memref<2560x768xf32, #tpu.memory_space<vmem>>, vector<77x768xf32>
    %add3A_313 = arith.addf %get3A_312, %get3A_1 : vector<77x768xf32>
    %swap3A_314 = arith.constant 31 : index
    %swap3A_315 = arith.constant 0 : index
    %swap3A_316 = arith.constant 0 : index
    %swap3A_317 = vector.load %arg3[%swap3A_314, %swap3A_315, %swap3A_316] : memref<32x77x768xf32, #tpu.memory_space<vmem>>, vector<1x77x768xf32>
    %swap3A_318 = vector.shape_cast %swap3A_317 : vector<1x77x768xf32> to vector<77x768xf32>
    %swap3A_319 = vector.shape_cast %add3A_313 : vector<77x768xf32> to vector<1x77x768xf32>
    tpu.vector_store %arg3[%swap3A_314, %swap3A_315, %swap3A_316], %swap3A_319 {strides = array<i32>} : memref<32x77x768xf32, #tpu.memory_space<vmem>>, vector<1x77x768xf32>,
    return
  }
  func.func @transform_0(%arg0: i32) -> (i32, i32) {
    %c0_i32 = arith.constant 0 : i32
    %c0_i32_0 = arith.constant 0 : i32
    return %arg0, %c0_i32 : i32, i32
  }
  func.func @transform_1(%arg0: i32) -> (i32, i32) {
    %c0_i32 = arith.constant 0 : i32
    %c0_i32_0 = arith.constant 0 : i32
    %c0_i32_1 = arith.constant 0 : i32
    return %c0_i32, %c0_i32_0 : i32, i32
  }
  func.func @transform_2(%arg0: i32) -> (i32, i32, i32) {
    %c0_i32 = arith.constant 0 : i32
    %c0_i32_0 = arith.constant 0 : i32
    %c0_i32_1 = arith.constant 0 : i32
    return %arg0, %c0_i32, %c0_i32_0 : i32, i32, i32
  }
}

</mosaic_0001>

<sc_bundles>
// kernel: _run.4.cloned.1.call-start
scs
__scs_entry_jumppad:
0x0: {  	(pc) =	sbr.rel $0x88, $3  }
0x1: {  	(tag) =	ssettag $0x0;
	lr =	simm.s32 $0x1  }
0x2: {  	[smem:$0x3F9E] =	sst lr;
	_ =	strace $0xD0000000  }
0x3: {  	_ = 	snop  }
0x4: {  	_ = 	snop  }
0x5: {  	_ = 	snop  }
0x6: {  	_ = 	snop  }
0x7: {  	_ = 	snop  }
__scs_overlays_trampoline_lowered:
0x8: {  	[smem:$0x3FAD] =	sst s0  }
0x9: {  	[smem:$0x3FAE] =	sst s1  }
0xa: {  	[smem:$0x3FAF] =	sst s2  }
0xb: {  	[smem:$0x3FB0] =	sst s3  }
0xc: {  	[smem:$0x3FB1] =	sst s4  }
0xd: {  	[smem:$0x3FB2] =	sst s5  }
0xe: {  	[smem:$0x3FB3] =	sst s6  }
0xf: {  	[smem:$0x3FB4] =	sst s7  }
0x10: {  	[smem:$0x3FB5] =	sst s8  }
0x11: {  	[smem:$0x3FB6] =	sst s9;
	s0 =	simm.s32 @!p0 $0x0  }
0x12: {  	s1 =	sld [smem:$0x3F9C];
	s0 =	simm.s32 @p0 $0x1  }
0x13: {  	[smem:$0x3FB7] =	sst s0;
	s0 =	simm.s32 @!p1 $0x0  }
0x14: {  	s2 =	sld [smem:$0x3F9B];
	s0 =	simm.s32 @p1 $0x1  }
0x15: {  	[smem:$0x3FB8] =	sst s0;
	s0 =	simm.s32 @!p2 $0x0  }
0x16: {  	s3 =	sld [smem:$0x3FDB];
	s0 =	simm.s32 @p2 $0x1  }
0x17: {  	s4 =	simm.s32 $0x1BF5;
	[smem:$0x3FBA] =	sst s0  }
0x18: {  	s0 =	sld [smem:$0x3F9D];
	_ =	swait.ge [sflag:s4], $0x0  }
0x19: {  	s7 =	sld [smem:$0x3F9E]  }
0x1a: {  	s8 =	sadd.s32 $0xFFFFE003, lr  }
0x1b: {  	s9 =	sadd.s32 $0xFFFFFEF7, lr;
	s5 =	simm.s32 $0xFFFFFFFF;
	p2 =	slt.u32 s8, $0xFFFFF086  }
0x1c: {  	p1 =	slt.u32 s9, $0xF7A;
	s5 =	simm.s32 @!p2 $0x0  }
0x1d: {  	s5 =	simm.s32 @p1 $0x1;
	p0 =	seq.s32 s7, s2  }
0x1e: {  	s7 =	smul.u32 @!p0 $0xF7A, s2;
	p2 =	seq.s32 @!p0 s5, $0x0  }
0x1f: {  	s9 =	smul.u32 $0xF7A, s1;
	s8 =	simm.s32 @!p0 $0x1BF5;
	p2 =	por !p2, p0  }
0x20: {  	[sflag:s8] =	ssyncset.s32 @!p0 $0xFFFFF086;
	s6 =	sadd.s32 @!p0 s3, s7;
	s7 =	simm.s32 @!p0 $0x108  }
0x21: {  	s3 =	sadd.s32 s3, s9;
	s6 =	sadd.s32 @!p0 $0x88, s6;
	s7 =	simm.s32 @p2 $0x1082  }
0x22: {  	[simem:s7], [sflag:s8] =	dma.local @!p0 [hbm:s6], $0xF7A  }
0x23: {  	s9 =	sor.u32 $0xD0000000, s2;
	s6 =	simm.s32 $0x108;
	_ =	swait.ge @!p0 [sflag:s8], $0x0  }
0x24: {  	s3 =	sadd.s32 $0x88, s3;
	s6 =	simm.s32 @!p1 $0x1082;
	[sflag:s4] =	ssyncset.s32 $0xFFFFF086  }
0x25: {  	[simem:s6], [sflag:s4] =	dma.local [hbm:s3], $0xF7A  }
0x26: {  	[smem:$0x3F9E] =	sst s1;
	(tag) =	ssettag s2;
	_ =	strace s9  }
0x27: {  	s1 =	sld [smem:$0x3FAE]  }
0x28: {  	s2 =	sld [smem:$0x3FAF]  }
0x29: {  	s4 =	sld [smem:$0x3FB1]  }
0x2a: {  	p0 =	seq.s32 s5, $0x0;
	s5 =	sld [smem:$0x3FB2]  }
0x2b: {  	s6 =	sld [smem:$0x3FB3]  }
0x2c: {  	s7 =	sld [smem:$0x3FB4]  }
0x2d: {  	s3 =	simm.s32 $0x108;
	s8 =	sld [smem:$0x3FB5]  }
0x2e: {  	s3 =	simm.s32 @!p0 $0x1082;
	s9 =	sld [smem:$0x3FB6]  }
0x2f: {  	lr =	sadd.s32 s0, s3;
	s0 =	sld [smem:$0x3FAD]  }
0x30: {  	s3 =	sld [smem:$0x3FB0]  }
0x31: {  	[smem:$0x3FB9] =	sst s10  }
0x32: {  	s10 =	sld [smem:$0x3FB7];
	_ =	sdelay $0x3  }
0x33: {  	p0 =	seq.s32 s10, $0x1;
	s10 =	sld [smem:$0x3FB9];
	_ =	sdelay $0x3  }
0x34: {  	[smem:$0x3FB9] =	sst s10  }
0x35: {  	s10 =	sld [smem:$0x3FB8];
	_ =	sdelay $0x3  }
0x36: {  	p1 =	seq.s32 s10, $0x1;
	s10 =	sld [smem:$0x3FB9];
	_ =	sdelay $0x3  }
0x37: {  	[smem:$0x3FB9] =	sst s10  }
0x38: {  	s10 =	sld [smem:$0x3FBA]  }
0x39: {  	_ = 	snop;
	(pc) =	sbr.ind lr, $3  }
0x3a: {  	_ = 	snop  }
0x3b: {  	_ = 	snop  }
0x3c: {  	p2 =	seq.s32 s10, $0x1;
	s10 =	sld [smem:$0x3FB9]  }
0x3d: {  	_ =	shalt  }
0x3e: {  	_ =	shalt  }
0x3f: {  	_ =	shalt  }
0x40: {  	_ =	shalt  }
0x41: {  	_ =	shalt  }
0x42: {  	_ =	shalt  }
0x43: {  	_ =	shalt  }
0x44: {  	_ =	shalt  }
0x45: {  	_ =	shalt  }
0x46: {  	_ =	shalt  }
0x47: {  	_ =	shalt  }
0x48: {  	_ =	shalt  }
0x49: {  	_ =	shalt  }
0x4a: {  	_ =	shalt  }
0x4b: {  	_ =	shalt  }
0x4c: {  	_ =	shalt  }
0x4d: {  	_ =	shalt  }
0x4e: {  	_ =	shalt  }
0x4f: {  	_ =	shalt  }
0x50: {  	_ =	shalt  }
0x51: {  	_ =	shalt  }
0x52: {  	_ =	shalt  }
0x53: {  	_ =	shalt  }
0x54: {  	_ =	shalt  }
0x55: {  	_ =	shalt  }
0x56: {  	_ =	shalt  }
0x57: {  	_ =	shalt  }
0x58: {  	_ =	shalt  }
0x59: {  	_ =	shalt  }
0x5a: {  	_ =	shalt  }
0x5b: {  	_ =	shalt  }
0x5c: {  	_ =	shalt  }
0x5d: {  	_ =	shalt  }
0x5e: {  	_ =	shalt  }
0x5f: {  	_ =	shalt  }
0x60: {  	_ =	shalt  }
0x61: {  	_ =	shalt  }
0x62: {  	_ =	shalt  }
0x63: {  	_ =	shalt  }
0x64: {  	_ =	shalt  }
0x65: {  	_ =	shalt  }
0x66: {  	_ =	shalt  }
0x67: {  	_ =	shalt  }
0x68: {  	_ =	shalt  }
0x69: {  	_ =	shalt  }
0x6a: {  	_ =	shalt  }
0x6b: {  	_ =	shalt  }
0x6c: {  	_ =	shalt  }
0x6d: {  	_ =	shalt  }
0x6e: {  	_ =	shalt  }
0x6f: {  	_ =	shalt  }
0x70: {  	_ =	shalt  }
0x71: {  	_ =	shalt  }
0x72: {  	_ =	shalt  }
0x73: {  	_ =	shalt  }
0x74: {  	_ =	shalt  }
0x75: {  	_ =	shalt  }
0x76: {  	_ =	shalt  }
0x77: {  	_ =	shalt  }
0x78: {  	_ =	shalt  }
0x79: {  	_ =	shalt  }
0x7a: {  	_ =	shalt  }
0x7b: {  	_ =	shalt  }
0x7c: {  	_ =	shalt  }
0x7d: {  	_ =	shalt  }
0x7e: {  	_ =	shalt  }
0x7f: {  	_ =	shalt  }
0x80: {  	_ =	shalt  }
0x81: {  	_ =	shalt  }
0x82: {  	_ =	shalt  }
0x83: {  	_ =	shalt  }
0x84: {  	_ =	shalt  }
0x85: {  	_ =	shalt  }
0x86: {  	_ =	shalt  }
0x87: {  	_ =	shalt  }
.Lfunc_end0:
.L_simem_size_0:
called_computation_lowered:
.L_overlay_start_0:
0x88: {  	s2 =	sld [smem:$0x3FD9]  }
0x89: {  	s3 =	sld [smem:$0x3FFE];
	_ =	sdelay $0x1  }
0x8a: {  	s1 =	srdreg.scid  }
0x8b: {  	s0 =	sand.u32 $0x1, s1  }
0x8c: {  	s17 =	sshll.u32 s0, $0xA;
	s2 =	sadd.s32 s3, s2  }
0x8d: {  	s2 =	sadd.s32 s2, s17  }
0x8e: {  	[smem:$0x3FC5] =	sst s2  }
0x8f: {  	_ = 	snop  }
0x90: {  	s2 =	sld [smem:$0x3FC9]  }
0x91: {  	s18 =	sld [smem:$0x3FC8];
	(tm) =	ssettm $0x1  }
0x92: {  	s4 =	sld [smem:$0x3FFB];
	_ =	sdelay $0x3  }
0x93: {  	_ =	strace s4  }
0x94: {  	s4 =	sld [smem:$0x3FFC];
	_ =	sdelay $0x3  }
0x95: {  	_ =	strace s4  }
0x96: {  	s4 =	sld [smem:$0x3FFD];
	_ =	sdelay $0x3  }
0x97: {  	_ =	strace s4  }
0x98: {  	_ =	strace $0x8FFFFFFF  }
0x99: {  	s19 =	sld [smem:$0x3FDB];
	_ =	sdelay $0x1  }
0x9a: {  	s5 =	simm.s32 $_scs_section_size  }
0x9b: {  	s6 =	simm.s32 $_size__tile_overlayer_lowered;
	s7 =	simm.s32 $_tile_overlayer_lowered  }
0x9c: {  	s22 =	simm.s32 $0x1BFF;
	s21 =	sshll.u32 s7, $0x1;
	s4 =	sadd.s32 s5, s19  }
0x9d: {  	s8 =	simm.s32 $0x0;
	s20 =	sshll.u32 s6, $0x1;
	s6 =	sadd.s32 s21, s4  }
0x9e: {  	[timem:s8], [sflag:s22] =	dma.local [hbm:s6], s20  }
0x9f: {  	_ =	swait.ge [sflag:s22], s20  }
0xa0: {  	s5 =	ssub.s32 $0x0, s20;
	[sflag:s22] =	ssyncset.done $0x0  }
0xa1: {  	[sflag:s22] =	ssyncadd.s32 s5;
	_ =	sdelay $0x1  }
0xa2: {  	s23 =	simm.s32 $0x1B8B  }
0xa3: {  	_ =	swait.ge [sflag:s23], $0x1  }
0xa4: {  	[sflag:s23] =	ssyncset.done $0x0  }
0xa5: {  	s25 =	simm.s32 $0x1B8E;
	s24 =	sld [smem:$0x3FFE];
	[sflag:s23] =	ssyncadd.s32 $0xFFFFFFFF  }
0xa6: {  	s26 =	simm.s32 $execute0_lowered;
	[smem:$0x3FD2] =	sst s25  }
0xa7: {  	s6 =	sshll.u32 s26, $0x1;
	_ =	strace $0x80000046;
	[dreg:$0x1] =	wrdreg $0xFFFFFFFF  }
0xa8: {  	s28 =	simm.s32 $_size_execute0_lowered;
	s4 =	sadd.s32 s4, s6;
	[dreg:$0x0] =	wrdreg $0x0  }
0xa9: {  	s6 =	sshll.u32 s28, $0x1;
	[dreg:$0x2] =	wrdreg s4  }
0xaa: {  	[dreg:$0x3] =	wrdreg s6  }
0xab: {  	[dreg:$0x4] =	wrdreg $0xC0  }
0xac: {  	_ =	task [dreg:s8], $0x5FFFF  }
0xad: {  	[dreg:$0x1] =	wrdreg $0xFFFFFFFF  }
0xae: {  	[dreg:$0x0] =	wrdreg $0x60  }
0xaf: {  	[dreg:$0x2] =	wrdreg s18  }
0xb0: {  	[dreg:$0x3] =	wrdreg s2  }
0xb1: {  	[dreg:$0x4] =	wrdreg s24  }
0xb2: {  	[dreg:$0x5] =	wrdreg $0x9  }
0xb3: {  	_ =	task.clear_ibuf [dreg:s8], $0x6FFFF;
	_ =	strace $0x90000046  }
0xb4: {  	s29 =	simm.s32 $0x9;
	_ =	strace $0x80000048  }
0xb5: {  	_ =	swait.ge [sflag:s29], $0x1  }
0xb6: {  	[sflag:s29] =	ssyncadd.s32 $0xFFFFFFFF  }
0xb7: {  	_ =	strace $0x90000048  }
0xb8: {  	_ =	sfence  }
0xb9: {  	s30 =	sld [smem:$0x0];
	_ =	sdelay $0x2  }
0xba: {  	s31 =	sshll.u32 s1, $0xD;
	s1 =	sshrl.u32 s1, $0x2  }
0xbb: {  	s3 =	sand.u32 $0x4000, s31;
	s1 =	sadd.s32 s1, s30  }
0xbc: {  	s0 =	sor.u32 s3, s0;
	s1 =	sshll.u32 s1, $0x11  }
0xbd: {  	s0 =	sor.u32 s1, s0  }
0xbe: {  	s0 =	sadd.s32 $0x8F2B, s0  }
0xbf: {  	[sflag:s0] =	ssyncadd.remote.s32 $0x1  }
0xc0: {  	_ =	sfence.sel $0xFFFF  }
0xc1: {  	[dreg:$0x0] =	wrdreg $0xFFFFFFFF;
	(pc) =	sbr.abs _section_cstart, $3  }
0xc2: {  	[dreg:$0x1] =	wrdreg $0xFFFFFFFF  }
0xc3: {  	_ =	task.clear_ibuf [dreg:s8], $0x2FFFF;
	_ =	strace $0x9FFFFFFF  }
0xc4: {  	(tm) =	ssettm $0x7FFFFFFF  }
0xc5: {  	_ =	shalt  }
tec
execute0_lowered:
.L_overlay_start_1:
0x0: {  	(tag) =	ssettag $0x1  }
0x1: {  	s1 =	rddreg [dreg:$0x0]  }
0x2: {  	s0 =	rddreg [dreg:$0x1];
	s2 =	srdreg.scid  }
0x3: {  	s7 =	stileid.u32;
	s4 =	rddreg [dreg:$0x2];
	s3 =	simm.s32 $0x0  }
0x4: {  	s11 =	simm.s32 $0x2800;
	s10 =	simm.s32 $0x1;
	s12 =	simm.s32 $0xE800  }
0x5: {  	s19 =	simm.s32 $0x12000;
	s20 =	simm.s32 $0x12800;
	s21 =	simm.s32 $0x13000  }
0x6: {  	s22 =	simm.s32 $0x13800;
	s23 =	simm.s32 $0x14000;
	s28 =	simm.s32 $0x16000  }
0x7: {  	s29 =	simm.s32 $0x16800;
	s30 =	simm.s32 $0x17000;
	s31 =	simm.s32 $0x17800  }
0x8: {  	s13 =	simm.s32 $0x1A000;
	s14 =	simm.s32 $0x2;
	s15 =	simm.s32 $0x3  }
0x9: {  	s18 =	simm.s32 $0x0;
	s2 =	sand.u32 $0x1, s2;
	s5 =	smul.u32 $0x5000, s7  }
0xa: {  	[smem:$0x7FF] =	sst s3;
	s7 =	sshll.u32 s7, $0x1;
	s6 =	smul.u32 $0x2800, s2  }
0xb: {  	s4 =	sadd.s32 $0x600, s4;
	s24 =	sor.u32 s2, s7;
	s2 =	ssub.s32 $0x2, s2  }
0xc: {  	_ =	strace $0x80000047;
	s8 =	sshrl.u32 s2, $0x1;
	s5 =	sadd.s32 s6, s5  }
0xd: {  	s6 =	smul.u32 $0x2800, s24;
	s2 =	ssub.s32 s2, s8;
	s24 =	simm.s32 $0x14800  }
0xe: {  	s25 =	sor.u32 $0x40, s5;
	s5 =	sshrl.u32 s5, $0x3;
	s26 =	smax.u32 s2, $0x1  }
0xf: {  	s2 =	simm.s32 $0x18000;
	s7 =	sshrl.u32 s25, $0x3;
	s9 =	smul.u32 $0x300, s5  }
.Ltmp0:
0x10: {  	s6 =	sshrl.u32 s6, $0x3;
	s5 =	sadd.s32 $0x100, s1;
	(pc) =	sbr.rel .LBB2_1-.Ltmp0, $4  }
0x11: {  	[dreg:$0x5] =	wrdreg s26;
	s25 =	simm.s32 $0x15000;
	s26 =	simm.s32 $0x15800  }
0x12: {  	v2 =	vlaneseq.u32;
	s7 =	smul.u32 $0x300, s7;
	s0 =	sadd.s32 s0, s6;
	s6 =	sadd.s32 $0x200, s1  }
0x13: {  	vm0 =	vmmov $0xffff;
	v1 =	vshrl.u32 v2, $0x3;
	[dreg:$0x4] =	wrdreg s0;
	s9 =	sadd.s32 s9, s4;
	s0 =	simm.s32 $0x18800  }
0x14: {  	v0 =	vand.u32 $0x7, v2;
	v2 =	vor.u32 $0x8, v2;
	v1 =	vmul.u32 $0x8, v1;
	s8 =	sadd.s32 s7, s4;
	s4 =	simm.s32 $0x19000;
	s7 =	simm.s32 $0x19800  }
.LBB2_5:
0x15: {  	s17 =	simm.s32 $0x4  }
0x16: {  	_ =	swait.ge [sflag:s17], $0xC000  }
0x17: {  	s18 =	rddreg [dreg:$0x6]  }
0x18: {  	s16 =	rddreg [dreg:$0x5];
	s18 =	sadd.s32 $0x1, s18  }
0x19: {  	p0 =	sne.s32 s18, s16  }
.Ltmp1:
0x1a: {  	_ = 	snop;
	(pc) =	sbr.rel @!p0 .LBB2_6-.Ltmp1, $3  }
0x1b: {  	_ =	sdelay $0x1  }
0x1c: {  	[sflag:s17] =	ssyncset.done $0x0  }
0x1d: {  	[sflag:s17] =	ssyncadd.s32 $0xFFFF4000  }
.LBB2_1:
0x1e: {  	[dreg:$0x6] =	wrdreg s18  }
0x1f: {  	s16 =	rddreg [dreg:$0x4];
	s17 =	simm.s32 $0x5  }
0x20: {  	[tilespmem:s3], [sflag:$0x5] =	stream.linear.gather [hbm4b:s16+s3], $0x2800, $0x38;
	[tilespmem:$0x1A800] =	vst v63  }
0x21: {  	_ =	swait.ge [sflag:s17], $0x2800  }
0x22: {  	[sflag:s17] =	ssyncset.done $0x0  }
0x23: {  	[sflag:s17] =	ssyncadd.s32 $0xFFFFD800  }
0x24: {  	v3 =	vld [tilespmem:$0x0];
	_ =	sdelay $0x4  }
0x25: {  	v4 =	vshrl.u32 v3, $0x3  }
0x26: {  	v4 =	vmul.u32 $0x30, v4  }
0x27: {  	v3 =	vand.u32 $0x7, v3  }
0x28: {  	v3 =	vor.u32 v3, v4  }
0x29: {  	v4 =	vperm.xlane v3, v0;
	_ =	sdelay $0x1  }
0x2a: {  	v4 =	vadd.s32 v1, v4;
	_ =	sdelay $0x3  }
0x2b: {  	v3 =	vperm.xlane v3, v2  }
0x2c: {  	[tilespmem:s11], [sflag:$0x1] =	stream.indirect_vreg.gather [hbm4b:s1+s3], $0x80, v4, vm0, $0xb8;
	[tilespmem:$0x1A800] =	vst v63  }
0x2d: {  	s18 =	simm.s32 $0x3000;
	v3 =	vadd.s32 v1, v3  }
0x2e: {  	[tilespmem:s18], [sflag:$0x1] =	stream.indirect_vreg.gather [hbm4b:s5+s3], $0x80, v4, vm0, $0xb8;
	[tilespmem:$0x1A800] =	vst v63  }
0x2f: {  	s17 =	simm.s32 $0x3800  }
0x30: {  	[tilespmem:s17], [sflag:$0x1] =	stream.indirect_vreg.gather [hbm4b:s6+s3], $0x80, v4, vm0, $0xb8;
	[tilespmem:$0x1A800] =	vst v63  }
0x31: {  	s18 =	simm.s32 $0x4000  }
0x32: {  	[tilespmem:s18], [sflag:$0x1] =	stream.indirect_vreg.gather [hbm4b:s1+s3], $0x80, v3, vm0, $0xb8;
	[tilespmem:$0x1A800] =	vst v63  }
0x33: {  	s17 =	simm.s32 $0x4800  }
0x34: {  	[tilespmem:s17], [sflag:$0x1] =	stream.indirect_vreg.gather [hbm4b:s5+s3], $0x80, v3, vm0, $0xb8;
	[tilespmem:$0x1A800] =	vst v63  }
0x35: {  	s18 =	simm.s32 $0x5000  }
0x36: {  	[tilespmem:s18], [sflag:$0x1] =	stream.indirect_vreg.gather [hbm4b:s6+s3], $0x80, v3, vm0, $0xb8;
	[tilespmem:$0x1A800] =	vst v63  }
0x37: {  	v3 =	vld [tilespmem:$0x10];
	_ =	sdelay $0x4  }
0x38: {  	v61 =	vshrl.u32 v3, $0x3  }
0x39: {  	v4 =	vmul.u32 $0x30, v61  }
0x3a: {  	v3 =	vand.u32 $0x7, v3  }
0x3b: {  	v3 =	vor.u32 v3, v4  }
0x3c: {  	v4 =	vperm.xlane v3, v0;
	_ =	sdelay $0x1  }
0x3d: {  	v4 =	vadd.s32 v1, v4;
	_ =	sdelay $0x3  }
0x3e: {  	s17 =	simm.s32 $0x5800;
	v3 =	vperm.xlane v3, v2  }
0x3f: {  	[tilespmem:s17], [sflag:$0x1] =	stream.indirect_vreg.gather [hbm4b:s1+s3], $0x80, v4, vm0, $0xb8;
	[tilespmem:$0x1A800] =	vst v63  }
0x40: {  	s18 =	simm.s32 $0x6000;
	v3 =	vadd.s32 v1, v3  }
0x41: {  	[tilespmem:s18], [sflag:$0x1] =	stream.indirect_vreg.gather [hbm4b:s5+s3], $0x80, v4, vm0, $0xb8;
	[tilespmem:$0x1A800] =	vst v63  }
0x42: {  	s17 =	simm.s32 $0x6800  }
0x43: {  	[tilespmem:s17], [sflag:$0x1] =	stream.indirect_vreg.gather [hbm4b:s6+s3], $0x80, v4, vm0, $0xb8;
	[tilespmem:$0x1A800] =	vst v63  }
0x44: {  	s18 =	simm.s32 $0x7000  }
0x45: {  	[tilespmem:s18], [sflag:$0x1] =	stream.indirect_vreg.gather [hbm4b:s1+s3], $0x80, v3, vm0, $0xb8;
	[tilespmem:$0x1A800] =	vst v63  }
0x46: {  	s17 =	simm.s32 $0x7800  }
0x47: {  	[tilespmem:s17], [sflag:$0x1] =	stream.indirect_vreg.gather [hbm4b:s5+s3], $0x80, v3, vm0, $0xb8;
	[tilespmem:$0x1A800] =	vst v63  }
0x48: {  	s18 =	simm.s32 $0x8000  }
0x49: {  	[tilespmem:s18], [sflag:$0x1] =	stream.indirect_vreg.gather [hbm4b:s6+s3], $0x80, v3, vm0, $0xb8;
	[tilespmem:$0x1A800] =	vst v63  }
0x4a: {  	v3 =	vld [tilespmem:$0x20];
	_ =	sdelay $0x4  }
0x4b: {  	v62 =	vshrl.u32 v3, $0x3  }
0x4c: {  	v4 =	vmul.u32 $0x30, v62  }
0x4d: {  	v3 =	vand.u32 $0x7, v3  }
0x4e: {  	v3 =	vor.u32 v3, v4  }
0x4f: {  	v4 =	vperm.xlane v3, v0;
	_ =	sdelay $0x1  }
0x50: {  	v4 =	vadd.s32 v1, v4;
	_ =	sdelay $0x3  }
0x51: {  	s17 =	simm.s32 $0x8800;
	v3 =	vperm.xlane v3, v2  }
0x52: {  	[tilespmem:s17], [sflag:$0x1] =	stream.indirect_vreg.gather [hbm4b:s1+s3], $0x80, v4, vm0, $0xb8;
	[tilespmem:$0x1A800] =	vst v63  }
0x53: {  	s18 =	simm.s32 $0x9000;
	v3 =	vadd.s32 v1, v3  }
0x54: {  	[tilespmem:s18], [sflag:$0x1] =	stream.indirect_vreg.gather [hbm4b:s5+s3], $0x80, v4, vm0, $0xb8;
	[tilespmem:$0x1A800] =	vst v63  }
0x55: {  	s17 =	simm.s32 $0x9800  }
0x56: {  	[tilespmem:s17], [sflag:$0x1] =	stream.indirect_vreg.gather [hbm4b:s6+s3], $0x80, v4, vm0, $0xb8;
	[tilespmem:$0x1A800] =	vst v63  }
0x57: {  	s18 =	simm.s32 $0xA000  }
0x58: {  	[tilespmem:s18], [sflag:$0x1] =	stream.indirect_vreg.gather [hbm4b:s1+s3], $0x80, v3, vm0, $0xb8;
	[tilespmem:$0x1A800] =	vst v63  }
0x59: {  	s17 =	simm.s32 $0xA800  }
0x5a: {  	[tilespmem:s17], [sflag:$0x1] =	stream.indirect_vreg.gather [hbm4b:s5+s3], $0x80, v3, vm0, $0xb8;
	[tilespmem:$0x1A800] =	vst v63  }
0x5b: {  	s18 =	simm.s32 $0xB000  }
0x5c: {  	[tilespmem:s18], [sflag:$0x1] =	stream.indirect_vreg.gather [hbm4b:s6+s3], $0x80, v3, vm0, $0xb8;
	[tilespmem:$0x1A800] =	vst v63  }
0x5d: {  	v3 =	vld [tilespmem:$0x30];
	_ =	sdelay $0x4  }
0x5e: {  	v63 =	vshrl.u32 v3, $0x3  }
0x5f: {  	v4 =	vmul.u32 $0x30, v63  }
0x60: {  	v3 =	vand.u32 $0x7, v3  }
0x61: {  	v3 =	vor.u32 v3, v4  }
0x62: {  	v4 =	vperm.xlane v3, v0;
	_ =	sdelay $0x1  }
0x63: {  	v4 =	vadd.s32 v1, v4;
	_ =	sdelay $0x3  }
0x64: {  	s17 =	simm.s32 $0xB800;
	v3 =	vperm.xlane v3, v2  }
0x65: {  	[tilespmem:s17], [sflag:$0x1] =	stream.indirect_vreg.gather [hbm4b:s1+s3], $0x80, v4, vm0, $0xb8;
	[tilespmem:$0x1A800] =	vst v63  }
0x66: {  	s18 =	simm.s32 $0xC000;
	v3 =	vadd.s32 v1, v3  }
0x67: {  	[tilespmem:s18], [sflag:$0x1] =	stream.indirect_vreg.gather [hbm4b:s5+s3], $0x80, v4, vm0, $0xb8;
	[tilespmem:$0x1A800] =	vst v63  }
0x68: {  	s17 =	simm.s32 $0xC800  }
0x69: {  	[tilespmem:s17], [sflag:$0x1] =	stream.indirect_vreg.gather [hbm4b:s6+s3], $0x80, v4, vm0, $0xb8;
	[tilespmem:$0x1A800] =	vst v63  }
0x6a: {  	s18 =	simm.s32 $0xD000  }
0x6b: {  	[tilespmem:s18], [sflag:$0x1] =	stream.indirect_vreg.gather [hbm4b:s1+s3], $0x80, v3, vm0, $0xb8;
	[tilespmem:$0x1A800] =	vst v63  }
.Ltmp2:
0x6c: {  	_ = 	snop;
	(pc) =	sbr.rel .LBB2_2-.Ltmp2, $4  }
0x6d: {  	s17 =	simm.s32 $0xD800  }
0x6e: {  	[tilespmem:s17], [sflag:$0x1] =	stream.indirect_vreg.gather [hbm4b:s5+s3], $0x80, v3, vm0, $0xb8;
	[tilespmem:$0x1A800] =	vst v63  }
0x6f: {  	s16 =	simm.s32 $0x60;
	s18 =	simm.s32 $0xE000;
	s17 =	simm.s32 $0x0  }
0x70: {  	[tilespmem:s18], [sflag:$0x1] =	stream.indirect_vreg.gather [hbm4b:s6+s3], $0x80, v3, vm0, $0xb8;
	[tilespmem:$0x1A800] =	vst v63  }
.LBB2_4:
0x71: {  	s18 =	sadd.s32 s17, s8;
	s17 =	sadd.s32 $0x3000, s17  }
0x72: {  	p0 =	sne.s32 s17, $0xF0000  }
.Ltmp3:
0x73: {  	_ = 	snop;
	(pc) =	sbr.rel @!p0 .LBB2_5-.Ltmp3, $3  }
0x74: {  	_ =	sdelay $0x1  }
0x75: {  	s16 =	sadd.s32 $0x80, s16  }
0x76: {  	[hbm4b:s18+s3] =	stream.linear.scatter [tilespmem:s12], [sflag:$0x4], $0xC000, $0x38;
	[tilespmem:$0x1A800] =	vst v63  }
.LBB2_2:
0x77: {  	_ =	swait.ge [sflag:s10], $0xC000  }
0x78: {  	p0 =	seq.s32 s17, $0x0;
	[sflag:s10] =	ssyncset.done $0x0  }
0x79: {  	s18 =	simm.s32 @!p0 $0x4;
	[sflag:s10] =	ssyncadd.s32 $0xFFFF4000  }
0x7a: {  	_ =	swait.ge @!p0 [sflag:s18], $0xC000  }
0x7b: {  	[sflag:s18] =	ssyncset.done @!p0 $0x0  }
0x7c: {  	[sflag:s18] =	ssyncadd.s32 @!p0 $0xFFFF4000  }
0x7d: {  	v3 =	vld [tilespmem:s16+$0xFFFFFFE0];
	_ =	sdelay $0x4  }
0x7e: {  	v4 =	vshrl.u32 v3, $0x3  }
0x7f: {  	v4 =	vmul.u32 $0x30, v4  }
0x80: {  	v3 =	vand.u32 $0x7, v3  }
0x81: {  	v3 =	vor.u32 v3, v4  }
0x82: {  	v4 =	vperm.xlane v3, v0;
	_ =	sdelay $0x1  }
0x83: {  	v4 =	vadd.s32 v1, v4;
	_ =	sdelay $0x3  }
0x84: {  	v3 =	vperm.xlane v3, v2  }
0x85: {  	[tilespmem:s12], [sflag:$0x2] =	stream.indirect_vreg.gather [hbm4b:s1+s3], $0x80, v4, vm0, $0xb8;
	[tilespmem:$0x1A800] =	vst v63  }
0x86: {  	s18 =	simm.s32 $0xF000;
	v3 =	vadd.s32 v1, v3  }
0x87: {  	[tilespmem:s18], [sflag:$0x2] =	stream.indirect_vreg.gather [hbm4b:s5+s3], $0x80, v4, vm0, $0xb8;
	[tilespmem:$0x1A800] =	vst v63  }
0x88: {  	s18 =	simm.s32 $0xF800  }
0x89: {  	[tilespmem:s18], [sflag:$0x2] =	stream.indirect_vreg.gather [hbm4b:s6+s3], $0x80, v4, vm0, $0xb8;
	[tilespmem:$0x1A800] =	vst v63  }
0x8a: {  	s18 =	simm.s32 $0x10000  }
0x8b: {  	[tilespmem:s18], [sflag:$0x2] =	stream.indirect_vreg.gather [hbm4b:s1+s3], $0x80, v3, vm0, $0xb8;
	[tilespmem:$0x1A800] =	vst v63  }
0x8c: {  	s18 =	simm.s32 $0x10800  }
0x8d: {  	[tilespmem:s18], [sflag:$0x2] =	stream.indirect_vreg.gather [hbm4b:s5+s3], $0x80, v3, vm0, $0xb8;
	[tilespmem:$0x1A800] =	vst v63  }
0x8e: {  	s18 =	simm.s32 $0x11000  }
0x8f: {  	[tilespmem:s18], [sflag:$0x2] =	stream.indirect_vreg.gather [hbm4b:s6+s3], $0x80, v3, vm0, $0xb8;
	[tilespmem:$0x1A800] =	vst v63  }
0x90: {  	v3 =	vld [tilespmem:s16+$0xFFFFFFF0];
	_ =	sdelay $0x4  }
0x91: {  	v61 =	vshrl.u32 v3, $0x3  }
0x92: {  	v4 =	vmul.u32 $0x30, v61  }
0x93: {  	v3 =	vand.u32 $0x7, v3  }
0x94: {  	v3 =	vor.u32 v3, v4  }
0x95: {  	v4 =	vperm.xlane v3, v0;
	_ =	sdelay $0x1  }
0x96: {  	v4 =	vadd.s32 v1, v4;
	_ =	sdelay $0x3  }
0x97: {  	s18 =	simm.s32 $0x11800;
	v3 =	vperm.xlane v3, v2  }
0x98: {  	[tilespmem:s18], [sflag:$0x2] =	stream.indirect_vreg.gather [hbm4b:s1+s3], $0x80, v4, vm0, $0xb8;
	[tilespmem:$0x1A800] =	vst v63  }
0x99: {  	v3 =	vadd.s32 v1, v3  }
0x9a: {  	[tilespmem:s19], [sflag:$0x2] =	stream.indirect_vreg.gather [hbm4b:s5+s3], $0x80, v4, vm0, $0xb8;
	[tilespmem:$0x1A800] =	vst v63  }
0x9b: {  	_ = 	snop  }
0x9c: {  	[tilespmem:s20], [sflag:$0x2] =	stream.indirect_vreg.gather [hbm4b:s6+s3], $0x80, v4, vm0, $0xb8;
	[tilespmem:$0x1A800] =	vst v63  }
0x9d: {  	_ = 	snop  }
0x9e: {  	[tilespmem:s21], [sflag:$0x2] =	stream.indirect_vreg.gather [hbm4b:s1+s3], $0x80, v3, vm0, $0xb8;
	[tilespmem:$0x1A800] =	vst v63  }
0x9f: {  	_ = 	snop  }
0xa0: {  	[tilespmem:s22], [sflag:$0x2] =	stream.indirect_vreg.gather [hbm4b:s5+s3], $0x80, v3, vm0, $0xb8;
	[tilespmem:$0x1A800] =	vst v63  }
0xa1: {  	_ = 	snop  }
0xa2: {  	[tilespmem:s23], [sflag:$0x2] =	stream.indirect_vreg.gather [hbm4b:s6+s3], $0x80, v3, vm0, $0xb8;
	[tilespmem:$0x1A800] =	vst v63  }
0xa3: {  	v3 =	vld [tilespmem:s16+$0x0];
	_ =	sdelay $0x4  }
0xa4: {  	v62 =	vshrl.u32 v3, $0x3  }
0xa5: {  	v4 =	vmul.u32 $0x30, v62  }
0xa6: {  	v3 =	vand.u32 $0x7, v3  }
0xa7: {  	v3 =	vor.u32 v3, v4  }
0xa8: {  	v4 =	vperm.xlane v3, v0;
	_ =	sdelay $0x1  }
0xa9: {  	v4 =	vadd.s32 v1, v4;
	_ =	sdelay $0x3  }
0xaa: {  	v3 =	vperm.xlane v3, v2  }
0xab: {  	[tilespmem:s24], [sflag:$0x2] =	stream.indirect_vreg.gather [hbm4b:s1+s3], $0x80, v4, vm0, $0xb8;
	[tilespmem:$0x1A800] =	vst v63  }
0xac: {  	v3 =	vadd.s32 v1, v3  }
0xad: {  	[tilespmem:s25], [sflag:$0x2] =	stream.indirect_vreg.gather [hbm4b:s5+s3], $0x80, v4, vm0, $0xb8;
	[tilespmem:$0x1A800] =	vst v63  }
0xae: {  	_ = 	snop  }
0xaf: {  	[tilespmem:s26], [sflag:$0x2] =	stream.indirect_vreg.gather [hbm4b:s6+s3], $0x80, v4, vm0, $0xb8;
	[tilespmem:$0x1A800] =	vst v63  }
0xb0: {  	_ = 	snop  }
0xb1: {  	[tilespmem:s28], [sflag:$0x2] =	stream.indirect_vreg.gather [hbm4b:s1+s3], $0x80, v3, vm0, $0xb8;
	[tilespmem:$0x1A800] =	vst v63  }
0xb2: {  	_ = 	snop  }
0xb3: {  	[tilespmem:s29], [sflag:$0x2] =	stream.indirect_vreg.gather [hbm4b:s5+s3], $0x80, v3, vm0, $0xb8;
	[tilespmem:$0x1A800] =	vst v63  }
0xb4: {  	_ = 	snop  }
0xb5: {  	[tilespmem:s30], [sflag:$0x2] =	stream.indirect_vreg.gather [hbm4b:s6+s3], $0x80, v3, vm0, $0xb8;
	[tilespmem:$0x1A800] =	vst v63  }
0xb6: {  	v3 =	vld [tilespmem:s16+$0x10];
	_ =	sdelay $0x4  }
0xb7: {  	v63 =	vshrl.u32 v3, $0x3  }
0xb8: {  	v4 =	vmul.u32 $0x30, v63  }
0xb9: {  	v3 =	vand.u32 $0x7, v3  }
0xba: {  	v3 =	vor.u32 v3, v4  }
0xbb: {  	v4 =	vperm.xlane v3, v0;
	_ =	sdelay $0x1  }
0xbc: {  	v4 =	vadd.s32 v1, v4;
	_ =	sdelay $0x3  }
0xbd: {  	v3 =	vperm.xlane v3, v2  }
0xbe: {  	[tilespmem:s31], [sflag:$0x2] =	stream.indirect_vreg.gather [hbm4b:s1+s3], $0x80, v4, vm0, $0xb8;
	[tilespmem:$0x1A800] =	vst v63  }
0xbf: {  	v3 =	vadd.s32 v1, v3  }
0xc0: {  	[tilespmem:s2], [sflag:$0x2] =	stream.indirect_vreg.gather [hbm4b:s5+s3], $0x80, v4, vm0, $0xb8;
	[tilespmem:$0x1A800] =	vst v63  }
0xc1: {  	_ = 	snop  }
0xc2: {  	[tilespmem:s0], [sflag:$0x2] =	stream.indirect_vreg.gather [hbm4b:s6+s3], $0x80, v4, vm0, $0xb8;
	[tilespmem:$0x1A800] =	vst v63  }
0xc3: {  	_ = 	snop  }
0xc4: {  	[tilespmem:s4], [sflag:$0x2] =	stream.indirect_vreg.gather [hbm4b:s1+s3], $0x80, v3, vm0, $0xb8;
	[tilespmem:$0x1A800] =	vst v63  }
0xc5: {  	_ = 	snop  }
0xc6: {  	[tilespmem:s7], [sflag:$0x2] =	stream.indirect_vreg.gather [hbm4b:s5+s3], $0x80, v3, vm0, $0xb8;
	[tilespmem:$0x1A800] =	vst v63  }
0xc7: {  	_ = 	snop  }
0xc8: {  	[tilespmem:s13], [sflag:$0x2] =	stream.indirect_vreg.gather [hbm4b:s6+s3], $0x80, v3, vm0, $0xb8;
	[tilespmem:$0x1A800] =	vst v63  }
0xc9: {  	s18 =	sadd.s32 s17, s9  }
0xca: {  	[hbm4b:s18+s3] =	stream.linear.scatter [tilespmem:s11], [sflag:$0x3], $0xC000, $0x38;
	[tilespmem:$0x1A800] =	vst v63  }
0xcb: {  	p0 =	seq.s32 s17, $0xED000;
	_ =	swait.ge [sflag:s14], $0xC000  }
.Ltmp4:
0xcc: {  	[sflag:s14] =	ssyncset.done $0x0;
	(pc) =	sbr.rel @p0 .LBB2_4-.Ltmp4, $4  }
0xcd: {  	[sflag:s14] =	ssyncadd.s32 $0xFFFF4000  }
0xce: {  	_ =	swait.ge [sflag:s15], $0xC000  }
0xcf: {  	[sflag:s15] =	ssyncset.done $0x0  }
0xd0: {  	[sflag:s15] =	ssyncadd.s32 $0xFFFF4000  }
0xd1: {  	v3 =	vld [tilespmem:s16+$0x20];
	_ =	sdelay $0x4  }
0xd2: {  	v4 =	vshrl.u32 v3, $0x3  }
0xd3: {  	v4 =	vmul.u32 $0x30, v4  }
0xd4: {  	v3 =	vand.u32 $0x7, v3  }
0xd5: {  	v3 =	vor.u32 v3, v4  }
0xd6: {  	v4 =	vperm.xlane v3, v0;
	_ =	sdelay $0x1  }
0xd7: {  	v4 =	vadd.s32 v1, v4;
	_ =	sdelay $0x3  }
0xd8: {  	v3 =	vperm.xlane v3, v2  }
0xd9: {  	[tilespmem:s11], [sflag:$0x1] =	stream.indirect_vreg.gather [hbm4b:s1+s3], $0x80, v4, vm0, $0xb8;
	[tilespmem:$0x1A800] =	vst v63  }
0xda: {  	s18 =	simm.s32 $0x3000;
	v3 =	vadd.s32 v1, v3  }
0xdb: {  	[tilespmem:s18], [sflag:$0x1] =	stream.indirect_vreg.gather [hbm4b:s5+s3], $0x80, v4, vm0, $0xb8;
	[tilespmem:$0x1A800] =	vst v63  }
0xdc: {  	s18 =	simm.s32 $0x3800  }
0xdd: {  	[tilespmem:s18], [sflag:$0x1] =	stream.indirect_vreg.gather [hbm4b:s6+s3], $0x80, v4, vm0, $0xb8;
	[tilespmem:$0x1A800] =	vst v63  }
0xde: {  	s18 =	simm.s32 $0x4000  }
0xdf: {  	[tilespmem:s18], [sflag:$0x1] =	stream.indirect_vreg.gather [hbm4b:s1+s3], $0x80, v3, vm0, $0xb8;
	[tilespmem:$0x1A800] =	vst v63  }
0xe0: {  	s18 =	simm.s32 $0x4800  }
0xe1: {  	[tilespmem:s18], [sflag:$0x1] =	stream.indirect_vreg.gather [hbm4b:s5+s3], $0x80, v3, vm0, $0xb8;
	[tilespmem:$0x1A800] =	vst v63  }
0xe2: {  	s18 =	simm.s32 $0x5000  }
0xe3: {  	[tilespmem:s18], [sflag:$0x1] =	stream.indirect_vreg.gather [hbm4b:s6+s3], $0x80, v3, vm0, $0xb8;
	[tilespmem:$0x1A800] =	vst v63  }
0xe4: {  	v3 =	vld [tilespmem:s16+$0x30];
	_ =	sdelay $0x4  }
0xe5: {  	v61 =	vshrl.u32 v3, $0x3  }
0xe6: {  	v4 =	vmul.u32 $0x30, v61  }
0xe7: {  	v3 =	vand.u32 $0x7, v3  }
0xe8: {  	v3 =	vor.u32 v3, v4  }
0xe9: {  	v4 =	vperm.xlane v3, v0;
	_ =	sdelay $0x1  }
0xea: {  	v4 =	vadd.s32 v1, v4;
	_ =	sdelay $0x3  }
0xeb: {  	s18 =	simm.s32 $0x5800;
	v3 =	vperm.xlane v3, v2  }
0xec: {  	[tilespmem:s18], [sflag:$0x1] =	stream.indirect_vreg.gather [hbm4b:s1+s3], $0x80, v4, vm0, $0xb8;
	[tilespmem:$0x1A800] =	vst v63  }
0xed: {  	v3 =	vadd.s32 v1, v3;
	s18 =	simm.s32 $0x6000  }
0xee: {  	[tilespmem:s18], [sflag:$0x1] =	stream.indirect_vreg.gather [hbm4b:s5+s3], $0x80, v4, vm0, $0xb8;
	[tilespmem:$0x1A800] =	vst v63  }
0xef: {  	s18 =	simm.s32 $0x6800  }
0xf0: {  	[tilespmem:s18], [sflag:$0x1] =	stream.indirect_vreg.gather [hbm4b:s6+s3], $0x80, v4, vm0, $0xb8;
	[tilespmem:$0x1A800] =	vst v63  }
0xf1: {  	s18 =	simm.s32 $0x7000  }
0xf2: {  	[tilespmem:s18], [sflag:$0x1] =	stream.indirect_vreg.gather [hbm4b:s1+s3], $0x80, v3, vm0, $0xb8;
	[tilespmem:$0x1A800] =	vst v63  }
0xf3: {  	s18 =	simm.s32 $0x7800  }
0xf4: {  	[tilespmem:s18], [sflag:$0x1] =	stream.indirect_vreg.gather [hbm4b:s5+s3], $0x80, v3, vm0, $0xb8;
	[tilespmem:$0x1A800] =	vst v63  }
0xf5: {  	s18 =	simm.s32 $0x8000  }
0xf6: {  	[tilespmem:s18], [sflag:$0x1] =	stream.indirect_vreg.gather [hbm4b:s6+s3], $0x80, v3, vm0, $0xb8;
	[tilespmem:$0x1A800] =	vst v63  }
0xf7: {  	v3 =	vld [tilespmem:s16+$0x40];
	_ =	sdelay $0x4  }
0xf8: {  	v62 =	vshrl.u32 v3, $0x3  }
0xf9: {  	v4 =	vmul.u32 $0x30, v62  }
0xfa: {  	v3 =	vand.u32 $0x7, v3  }
0xfb: {  	v3 =	vor.u32 v3, v4  }
0xfc: {  	v4 =	vperm.xlane v3, v0;
	_ =	sdelay $0x1  }
0xfd: {  	v4 =	vadd.s32 v1, v4;
	_ =	sdelay $0x3  }
0xfe: {  	s18 =	simm.s32 $0x8800;
	v3 =	vperm.xlane v3, v2  }
0xff: {  	[tilespmem:s18], [sflag:$0x1] =	stream.indirect_vreg.gather [hbm4b:s1+s3], $0x80, v4, vm0, $0xb8;
	[tilespmem:$0x1A800] =	vst v63  }
0x100: {  	v3 =	vadd.s32 v1, v3;
	s18 =	simm.s32 $0x9000  }
0x101: {  	[tilespmem:s18], [sflag:$0x1] =	stream.indirect_vreg.gather [hbm4b:s5+s3], $0x80, v4, vm0, $0xb8;
	[tilespmem:$0x1A800] =	vst v63  }
0x102: {  	s18 =	simm.s32 $0x9800  }
0x103: {  	[tilespmem:s18], [sflag:$0x1] =	stream.indirect_vreg.gather [hbm4b:s6+s3], $0x80, v4, vm0, $0xb8;
	[tilespmem:$0x1A800] =	vst v63  }
0x104: {  	s18 =	simm.s32 $0xA000  }
0x105: {  	[tilespmem:s18], [sflag:$0x1] =	stream.indirect_vreg.gather [hbm4b:s1+s3], $0x80, v3, vm0, $0xb8;
	[tilespmem:$0x1A800] =	vst v63  }
0x106: {  	s18 =	simm.s32 $0xA800  }
0x107: {  	[tilespmem:s18], [sflag:$0x1] =	stream.indirect_vreg.gather [hbm4b:s5+s3], $0x80, v3, vm0, $0xb8;
	[tilespmem:$0x1A800] =	vst v63  }
0x108: {  	s18 =	simm.s32 $0xB000  }
0x109: {  	[tilespmem:s18], [sflag:$0x1] =	stream.indirect_vreg.gather [hbm4b:s6+s3], $0x80, v3, vm0, $0xb8;
	[tilespmem:$0x1A800] =	vst v63  }
0x10a: {  	v3 =	vld [tilespmem:s16+$0x50];
	_ =	sdelay $0x4  }
0x10b: {  	v63 =	vshrl.u32 v3, $0x3  }
0x10c: {  	v4 =	vmul.u32 $0x30, v63  }
0x10d: {  	v3 =	vand.u32 $0x7, v3  }
0x10e: {  	v3 =	vor.u32 v3, v4  }
0x10f: {  	v4 =	vperm.xlane v3, v0;
	_ =	sdelay $0x1  }
0x110: {  	v4 =	vadd.s32 v1, v4;
	_ =	sdelay $0x3  }
0x111: {  	s18 =	simm.s32 $0xB800;
	v3 =	vperm.xlane v3, v2  }
0x112: {  	[tilespmem:s18], [sflag:$0x1] =	stream.indirect_vreg.gather [hbm4b:s1+s3], $0x80, v4, vm0, $0xb8;
	[tilespmem:$0x1A800] =	vst v63  }
0x113: {  	v3 =	vadd.s32 v1, v3;
	s18 =	simm.s32 $0xC000  }
0x114: {  	[tilespmem:s18], [sflag:$0x1] =	stream.indirect_vreg.gather [hbm4b:s5+s3], $0x80, v4, vm0, $0xb8;
	[tilespmem:$0x1A800] =	vst v63  }
0x115: {  	s18 =	simm.s32 $0xC800  }
0x116: {  	[tilespmem:s18], [sflag:$0x1] =	stream.indirect_vreg.gather [hbm4b:s6+s3], $0x80, v4, vm0, $0xb8;
	[tilespmem:$0x1A800] =	vst v63  }
0x117: {  	s18 =	simm.s32 $0xD000  }
0x118: {  	[tilespmem:s18], [sflag:$0x1] =	stream.indirect_vreg.gather [hbm4b:s1+s3], $0x80, v3, vm0, $0xb8;
	[tilespmem:$0x1A800] =	vst v63  }
.Ltmp5:
0x119: {  	_ = 	snop;
	(pc) =	sbr.rel .LBB2_4-.Ltmp5, $4  }
0x11a: {  	s18 =	simm.s32 $0xD800  }
0x11b: {  	[tilespmem:s18], [sflag:$0x1] =	stream.indirect_vreg.gather [hbm4b:s5+s3], $0x80, v3, vm0, $0xb8;
	[tilespmem:$0x1A800] =	vst v63  }
0x11c: {  	s18 =	simm.s32 $0xE000  }
0x11d: {  	[tilespmem:s18], [sflag:$0x1] =	stream.indirect_vreg.gather [hbm4b:s6+s3], $0x80, v3, vm0, $0xb8;
	[tilespmem:$0x1A800] =	vst v63  }
.LBB2_6:
0x11e: {  	_ =	sfence.sel $0x180000  }
0x11f: {  	[bflag:$0x0] =	sbarrier.arrive $0xFFFF  }
0x120: {  	_ =	strace $0x90000047  }
0x121: {  	s0 =	stileid.u32;
	[bflag:$0x2] =	sbarrier.arrive $0xFFFF  }
0x122: {  	p0 =	sne.s32 s0, $0x0;
	s0 =	rddreg [dreg:$0x3]  }
0x123: {  	s0 =	sadd.s32 @!p0 $0x100000, s0  }
0x124: {  	[sflag:s0] =	ssyncadd.tile.s32 @!p0 $0x1;
	_ =	shalt  }
.Lfunc_end2:
_tile_overlayer_lowered:
.L_overlay_start_2:
0x125: {  	(tag) =	ssettag $0x2  }
0x126: {  	s0 =	rddreg [dreg:$0x0];
	s2 =	stileid.u32  }
0x127: {  	s1 =	rddreg [dreg:$0x1];
	p0 =	sne.s32 s2, $0x0  }
0x128: {  	s3 =	rddreg [dreg:$0x2];
	[bflag:$0x3] =	sbarrier.arrive $0xFFFF;
	s2 =	simm.s32 @!p0 $0x1C05  }
0x129: {  	[timem:s3], [sflag:s2] =	dma.local @!p0 [hbm:s0], s1  }
0x12a: {  	s0 =	simm.s32 @!p0 $0x5  }
0x12b: {  	_ =	swait.ge @!p0 [sflag:s0], s1  }
0x12c: {  	s1 =	ssub.s32 @!p0 $0x0, s1;
	[sflag:s0] =	ssyncset.done @!p0 $0x0  }
0x12d: {  	[sflag:s0] =	ssyncadd.s32 @!p0 s1  }
0x12e: {  	[bflag:$0x3] =	sbarrier.arrive $0xFFFF  }
0x12f: {  	_ =	shalt  }

</sc_bundles>
